<compile_context>
chip_gen: v7x
topology: tpu7x:2x2x1
jax: 0.10.2.dev20260603
libtpu: 0.0.44.dev20260713+nightly
codegen_flags: <defaults>
</compile_context>

<pallas_src>
import functools

import jax
import jax.numpy as jnp
from jax import lax
from jax.experimental import pallas as pl
from jax.experimental.pallas import tpu as pltpu
from jax.experimental.pallas import tpu_sc as plsc

B = 8
Q = 900
T = 512
C = 400
K = 50
KP = 64
CQ = 128
NG = 8
QP = CQ * NG
BIG = 1 << 30
NSEG = QP // 16


def _mm_body(logits_ref, boxes_ref, ts_ref, wt_ref,
             p_ref, rm_ref, bx_ref):
    pid = pl.program_id(0)
    x = logits_ref[...].reshape(CQ * B, T)
    sig = jax.nn.sigmoid(x).astype(jnp.bfloat16)
    pm = wt_ref[...].astype(jnp.bfloat16)
    p = jax.lax.dot_general(
        sig, pm, (((1,), (1,)), ((), ())),
        preferred_element_type=jnp.float32)
    p_ref[pl.ds(pid * CQ * B, CQ * B), :] = p
    rmc = jnp.max(p.reshape(CQ, B, C), axis=2)
    rmt = jnp.transpose(rmc)
    qcol = jax.lax.broadcasted_iota(jnp.int32, (B, CQ), 1) + pid * CQ
    rm_ref[:, pl.ds(pid * CQ, CQ)] = jnp.where(qcol >= Q, -1.0, rmt)

    @pl.when(pid == 0)
    def _boxes():
        pb = boxes_ref[...]
        cxy = pb[:, 0:2, :]
        wh2 = pb[:, 2:4, :] * 0.5
        xyxy = jnp.concatenate([cxy - wh2, cxy + wh2], axis=1)
        for b in range(B):
            h = ts_ref[b, 0]
            w = ts_ref[b, 1]
            scale = jnp.concatenate(
                [jnp.full((1, Q), w, jnp.float32),
                 jnp.full((1, Q), h, jnp.float32)] * 2, axis=0)
            bx_ref[b] = xyxy[b] * scale


def _tc_matmul(pred_logits, pred_boxes, target_sizes, positive_map):
    return pl.pallas_call(
        _mm_body,
        grid=(NG,),
        in_specs=[
            pl.BlockSpec((CQ, B, T), lambda g: (g, 0, 0)),
            pl.BlockSpec((B, 4, Q), lambda g: (0, 0, 0)),
            pl.BlockSpec(memory_space=pltpu.SMEM),
            pl.BlockSpec((C, T), lambda g: (0, 0)),
        ],
        out_specs=[
            pl.BlockSpec((QP * B, C), lambda g: (0, 0)),
            pl.BlockSpec((B, QP), lambda g: (0, 0)),
            pl.BlockSpec((B, 4, Q), lambda g: (0, 0, 0)),
        ],
        out_shape=[
            jax.ShapeDtypeStruct((QP * B, C), jnp.float32),
            jax.ShapeDtypeStruct((B, QP), jnp.float32),
            jax.ShapeDtypeStruct((B, 4, Q), jnp.float32),
        ],
    )(jnp.transpose(pred_logits, (1, 0, 2)),
      jnp.transpose(pred_boxes, (0, 2, 1)),
      target_sizes, positive_map)


def _smax16(v):
    m = [v[i] for i in range(16)]
    while len(m) > 1:
        m = [jnp.maximum(m[i], m[i + 1]) for i in range(0, len(m), 2)]
    return m[0]


def _smin16(v):
    m = [v[i] for i in range(16)]
    while len(m) > 1:
        m = [jnp.minimum(m[i], m[i + 1]) for i in range(0, len(m), 2)]
    return m[0]


@functools.partial(
    pl.kernel,
    mesh=plsc.VectorSubcoreMesh(core_axis_name="c", subcore_axis_name="s"),
    out_type=[
        jax.ShapeDtypeStruct((B, KP), jnp.float32),
        jax.ShapeDtypeStruct((B, KP), jnp.int32),
        jax.ShapeDtypeStruct((B, KP), jnp.int32),
    ],
    scratch_types=[
        pltpu.VMEM((QP,), jnp.float32),
        pltpu.VMEM((NSEG,), jnp.float32),
        pltpu.VMEM((C,), jnp.float32),
        pltpu.VMEM((KP,), jnp.float32),
        pltpu.VMEM((KP,), jnp.int32),
        pltpu.VMEM((KP,), jnp.int32),
        pltpu.SemaphoreType.DMA,
    ],
)
def _sc_select(p_hbm, rm_hbm, scores_hbm, labels_hbm, qsel_hbm,
               rmv, segv, rowv, scv, lbv, qv, sem):
    cid = lax.axis_index("c")
    sid = lax.axis_index("s")
    wid = sid * 2 + cid

    @pl.when(wid < B)
    def _():
        b = wid
        pltpu.sync_copy(rm_hbm.at[b], rmv)
        io16 = lax.iota(jnp.int32, 16)
        iof = io16.astype(jnp.float32)

        def _store1(ref, idx, val):
            base = (idx // 16) * 16
            sl = ref[pl.ds(base, 16)]
            ref[pl.ds(base, 16)] = jnp.where(io16 + base == idx, val, sl)

        def _load1_i(ref, idx):
            base = (idx // 16) * 16
            v = ref[pl.ds(base, 16)]
            return _smax16(jnp.where(io16 + base == idx, v, -BIG))

        def seg_init(g, carry):
            acc = jnp.full((16,), -3.0, jnp.float32)

            def one(t, a):
                v = rmv[pl.ds((g * 16 + t) * 16, 16)]
                tm = _smax16(v)
                return jnp.where(iof == t.astype(jnp.float32), tm, a)

            acc = lax.fori_loop(0, 16, one, acc)
            segv[pl.ds(g * 16, 16)] = acc
            return carry

        lax.fori_loop(0, NSEG // 16, seg_init, 0)

        def pick(k, carry):
            def seg_vmax(j, acc):
                return jnp.maximum(acc, segv[pl.ds(j * 16, 16)])

            macc = lax.fori_loop(0, NSEG // 16, seg_vmax,
                                 jnp.full((16,), -3.0, jnp.float32))
            m = _smax16(macc)

            def seg_find(j, acc):
                v = segv[pl.ds(j * 16, 16)]
                return jnp.minimum(acc, jnp.where(v == m, io16 + j * 16, BIG))

            sacc = lax.fori_loop(0, NSEG // 16, seg_find,
                                 jnp.full((16,), BIG, jnp.int32))
            sbest = _smin16(sacc)
            v = rmv[pl.ds(sbest * 16, 16)]
            q = _smin16(jnp.where(v == m, io16 + sbest * 16, BIG))
            pltpu.sync_copy(p_hbm.at[q * B + b], rowv)

            def replay(j, cr):
                @pl.when(_load1_i(qv, j) == q)
                def _ko():
                    _store1(rowv, _load1_i(lbv, j), -1.0)
                return cr

            lax.fori_loop(0, k, replay, 0)

            def col_scan(j, acc):
                vv = rowv[pl.ds(j * 16, 16)]
                return jnp.minimum(acc, jnp.where(vv == m, io16 + j * 16, BIG))

            cacc = lax.fori_loop(0, C // 16, col_scan,
                                 jnp.full((16,), BIG, jnp.int32))
            c = _smin16(cacc)
            _store1(rowv, c, -1.0)

            def nm_scan(j, acc):
                return jnp.maximum(acc, rowv[pl.ds(j * 16, 16)])

            nacc = lax.fori_loop(0, C // 16, nm_scan,
                                 jnp.full((16,), -1.0, jnp.float32))
            nm = _smax16(nacc)
            _store1(rmv, q, nm)
            sv = rmv[pl.ds((q // 16) * 16, 16)]
            _store1(segv, q // 16, _smax16(sv))
            _store1(scv, k, m)
            _store1(lbv, k, c)
            _store1(qv, k, q)
            return carry

        lax.fori_loop(0, K, pick, 0)
        pltpu.sync_copy(scv, scores_hbm.at[b])
        pltpu.sync_copy(lbv, labels_hbm.at[b])
        pltpu.sync_copy(qv, qsel_hbm.at[b])


def _bx_body(qsel_ref, bx_ref, boxesout_ref):
    qio_k = jax.lax.broadcasted_iota(jnp.int32, (K, Q), 1)
    for b in range(B):
        qcol = jnp.reshape(qsel_ref[b, :K], (K, 1))
        oh = (qio_k == qcol).astype(jnp.float32)
        boxesout_ref[b] = jax.lax.dot_general(
            oh, bx_ref[b], (((1,), (1,)), ((), ())),
            preferred_element_type=jnp.float32,
            precision=jax.lax.Precision.HIGHEST)


def kernel(pred_logits, pred_boxes, target_sizes, positive_map):
    p, rm, bx = _tc_matmul(pred_logits, pred_boxes, target_sizes, positive_map)
    scores, labels, qsel = _sc_select(p, rm)
    boxes = pl.pallas_call(
        _bx_body,
        grid=(1,),
        in_specs=[
            pl.BlockSpec((B, KP), lambda g: (0, 0)),
            pl.BlockSpec((B, 4, Q), lambda g: (0, 0, 0)),
        ],
        out_specs=[pl.BlockSpec((B, K, 4), lambda g: (0, 0, 0))],
        out_shape=[jax.ShapeDtypeStruct((B, K, 4), jnp.float32)],
    )(qsel, bx)[0]
    return (scores[:, :K], labels[:, :K], boxes)

# --- scband reference (transcript-rebuilt; emitter-appended) ---
"""Pipeline reference for scband-post-process-inaturalist-grounding-10960756540242 (READ-ONLY COPY).

The authoritative reference and input builder live on the scoring server;
editing this copy changes nothing except your own understanding.
"""

import jax, jax.numpy as jnp
import numpy as np

B = 8
NUM_QUERIES = 900
NUM_TOKENS = 512
NUM_CATS = 400
NUM_SELECT = 50


def setup_inputs(seed: int = 0) -> dict:
    key = jax.random.key(seed)
    k1, k2, k3, k4 = jax.random.split(key, 4)
    pred_logits = jax.random.normal(k1, (B, NUM_QUERIES, NUM_TOKENS), dtype=jnp.float32)
    pred_boxes = jax.random.uniform(k2, (B, NUM_QUERIES, 4), dtype=jnp.float32)
    target_sizes = jax.random.uniform(k3, (B, 2), dtype=jnp.float32) * 1000.0 + 224.0
    # positive_map: built in __init__ from tokenized category spans; each row is a
    # normalized indicator over the text tokens belonging to that category.
    raw = (jax.random.uniform(k4, (NUM_CATS, NUM_TOKENS)) < 0.01).astype(jnp.float32)
    raw = raw.at[:, 0].set(1.0)  # guarantee non-empty rows like real spans
    positive_map = raw / jnp.clip(raw.sum(axis=-1, keepdims=True), 1e-6, None)
    return {
        "pred_logits": pred_logits,
        "pred_boxes": pred_boxes,
        "target_sizes": target_sizes,
        "positive_map": positive_map,
    }


def _box_cxcywh_to_xyxy(b):
    cx, cy, w, h = b[..., 0], b[..., 1], b[..., 2], b[..., 3]
    return jnp.stack([cx - 0.5 * w, cy - 0.5 * h, cx + 0.5 * w, cy + 0.5 * h], axis=-1)


def reference(pred_logits, pred_boxes, target_sizes, positive_map):
    prob_to_token = jax.nn.sigmoid(pred_logits)                    # [B, Q, T]
    prob = prob_to_token @ positive_map.T                          # [B, Q, C]
    bsz = prob.shape[0]
    num_cats = prob.shape[2]
    flat = prob.reshape(bsz, -1)                                   # [B, Q*C]
    topk_values, topk_indexes = jax.lax.top_k(flat, NUM_SELECT)    # [B, K]
    scores = topk_values
    topk_boxes = topk_indexes // num_cats
    labels = topk_indexes % num_cats
    boxes = _box_cxcywh_to_xyxy(pred_boxes)                        # [B, Q, 4]
    gather_idx = jnp.broadcast_to(topk_boxes[:, :, None], (bsz, NUM_SELECT, 4))
    boxes = jnp.take_along_axis(boxes, gather_idx, axis=1)         # [B, K, 4]
    img_h = target_sizes[:, 0]
    img_w = target_sizes[:, 1]
    scale_fct = jnp.stack([img_w, img_h, img_w, img_h], axis=1)    # [B, 4]
    boxes = boxes * scale_fct[:, None, :]
    return (scores, labels, boxes)

if __name__ == "__main__":
    import jax
    _d = setup_inputs()
    print(jax.jit(kernel)(*tuple(_d.values())))

</pallas_src>

<mosaic_0001>
#map = affine_map<(d0, d1) -> (0, 0)>
module attributes {stable_mosaic.version = 14 : i64} {
  func.func @_sc_select(%arg0: i32, %arg1: i32, %arg2: memref<8192x400xf32, #tpu.memory_space<hbm>>, %arg3: memref<8x1024xf32, #tpu.memory_space<hbm>>, %arg4: memref<8x64xf32, #tpu.memory_space<hbm>>, %arg5: memref<8x64xi32, #tpu.memory_space<hbm>>, %arg6: memref<8x64xi32, #tpu.memory_space<hbm>>, %arg7: memref<1024xf32, #tpu.memory_space<vmem>>, %arg8: memref<64xf32, #tpu.memory_space<vmem>>, %arg9: memref<400xf32, #tpu.memory_space<vmem>>, %arg10: memref<64xf32, #tpu.memory_space<vmem>>, %arg11: memref<64xi32, #tpu.memory_space<vmem>>, %arg12: memref<64xi32, #tpu.memory_space<vmem>>, %arg13: memref<!tpu.dma_semaphore, #tpu.memory_space<semaphore_mem>>) attributes {dimension_semantics = [#tpu.dimension_semantics<core_parallel>, #tpu.dimension_semantics<subcore_parallel>], iteration_bounds = array<i64: 2, 16>, scalar_prefetch = 0 : i64, scratch_operands = 7 : i64, tpu.core_type = #tpu.core_type<sc_vector_subcore>, window_params = [{transform_indices = #map}, {transform_indices = #map}, {transform_indices = #map}, {transform_indices = #map}, {transform_indices = #map}]} {
    %mul3A = arith.constant 2 : i32
    %mul3A_0 = arith.muli %arg1, %mul3A : i32
    %add3A = arith.addi %mul3A_0, %arg0 : i32
    %lt3A = arith.constant 8 : i32
    %lt3A_1 = arith.cmpi slt, %add3A, %lt3A : i32
    %convert_element_type3A = arith.extui %lt3A_1 : i1 to i32
    %cond3A = arith.constant 0 : i32
    %cond3A_2 = arith.cmpi ne, %convert_element_type3A, %cond3A : i32
    scf.if %cond3A_2 {
      "tpu.region"() ({
        %run_scoped3A = tpu.sem_alloc : memref<!tpu.dma_semaphore, #tpu.memory_space<semaphore_mem>>
        %dma_start3A = arith.constant 0 : i32
        %dma_start3A_15 = tpu.memref_slice %arg3[%add3A, %dma_start3A] : memref<8x1024xf32, #tpu.memory_space<hbm>> -> memref<1x1024xf32, #tpu.memory_space<hbm>>
        %dma_start3A_16 = tpu.memref_squeeze %dma_start3A_15 : memref<1x1024xf32, #tpu.memory_space<hbm>> -> memref<1024xf32, #tpu.memory_space<hbm>>
        %dma_start3A_17 = arith.constant 0 : i32
        %dma_start3A_18 = tpu.memref_slice %arg3[%add3A, %dma_start3A_17] : memref<8x1024xf32, #tpu.memory_space<hbm>> -> memref<1x1024xf32, #tpu.memory_space<hbm>>
        %dma_start3A_19 = tpu.memref_squeeze %dma_start3A_18 : memref<1x1024xf32, #tpu.memory_space<hbm>> -> memref<1024xf32, #tpu.memory_space<hbm>>
        tpu.enqueue_dma source(%dma_start3A_19 : memref<1024xf32, #tpu.memory_space<hbm>>) target(%arg7 : memref<1024xf32, #tpu.memory_space<vmem>>) target_semaphore(%run_scoped3A : memref<!tpu.dma_semaphore, #tpu.memory_space<semaphore_mem>>)
        %dma_wait3A = arith.constant 0 : i32
        %dma_wait3A_20 = tpu.memref_slice %arg3[%add3A, %dma_wait3A] : memref<8x1024xf32, #tpu.memory_space<hbm>> -> memref<1x1024xf32, #tpu.memory_space<hbm>>
        %dma_wait3A_21 = tpu.memref_squeeze %dma_wait3A_20 : memref<1x1024xf32, #tpu.memory_space<hbm>> -> memref<1024xf32, #tpu.memory_space<hbm>>
        %dma_wait3A_22 = arith.constant 0 : i32
        %dma_wait3A_23 = tpu.memref_slice %arg3[%add3A, %dma_wait3A_22] : memref<8x1024xf32, #tpu.memory_space<hbm>> -> memref<1x1024xf32, #tpu.memory_space<hbm>>
        %dma_wait3A_24 = tpu.memref_squeeze %dma_wait3A_23 : memref<1x1024xf32, #tpu.memory_space<hbm>> -> memref<1024xf32, #tpu.memory_space<hbm>>
        tpu.wait_dma2 semaphore(%run_scoped3A : memref<!tpu.dma_semaphore, #tpu.memory_space<semaphore_mem>>) src(%dma_wait3A_24 : memref<1024xf32, #tpu.memory_space<hbm>>) dst(%arg7 : memref<1024xf32, #tpu.memory_space<vmem>>)
        tpu.yield
      }) : () -> ()
      %iota3A = tpu.iota {dimensions = array<i32: 0>} : vector<16xi32>
      %convert_element_type3A_3 = arith.sitofp %iota3A : vector<16xi32> to vector<16xf32>
      %scan3A = arith.constant 0 : i32
      %scan3A_4 = arith.constant 0 : i32
      %scan3A_5 = arith.constant 4 : i32
      %scan3A_6 = arith.addi %scan3A_4, %scan3A_5 : i32
      %scan3A_7 = arith.constant 1 : i32
      scf.for %scan3A_15 = %scan3A_4 to %scan3A_6 step %scan3A_7  : i32 {
        %broadcast_in_dim3A = arith.constant -3.000000e+00 : f32
        %broadcast_in_dim3A_16 = vector.broadcast %broadcast_in_dim3A : f32 to vector<16xf32>
        %scan3A_17 = arith.constant 0 : i32
        %scan3A_18 = arith.constant 16 : i32
        %scan3A_19 = arith.addi %scan3A_17, %scan3A_18 : i32
        %scan3A_20 = arith.constant 1 : i32
        %scan3A_21 = scf.for %scan3A_28 = %scan3A_17 to %scan3A_19 step %scan3A_20 iter_args(%scan3A_29 = %broadcast_in_dim3A_16) -> (vector<16xf32>)  : i32 {
          %mul3A_30 = arith.constant 16 : i32
          %mul3A_31 = arith.muli %scan3A_15, %mul3A_30 : i32
          %add3A_32 = arith.addi %mul3A_31, %scan3A_28 : i32
          %mul3A_33 = arith.constant 16 : i32
          %mul3A_34 = arith.muli %add3A_32, %mul3A_33 : i32
          %get3A = arith.index_cast %mul3A_34 : i32 to index
          %get3A_35 = tpu.vector_load %arg7[%get3A] {strides = array<i32>} : memref<1024xf32, #tpu.memory_space<vmem>>, vector<16xf32>,
          %get3A_36 = vector.shape_cast %get3A_35 : vector<16xf32> to vector<16xf32>
          %slice3A = vector.extract_strided_slice %get3A_36 {offsets = [0], sizes = [1], strides = [1]} : vector<16xf32> to vector<1xf32>
          %squeeze3A = vector.extract %slice3A[0] : f32 from vector<1xf32>
          %slice3A_37 = vector.extract_strided_slice %get3A_36 {offsets = [1], sizes = [1], strides = [1]} : vector<16xf32> to vector<1xf32>
          %squeeze3A_38 = vector.extract %slice3A_37[0] : f32 from vector<1xf32>
          %slice3A_39 = vector.extract_strided_slice %get3A_36 {offsets = [2], sizes = [1], strides = [1]} : vector<16xf32> to vector<1xf32>
          %squeeze3A_40 = vector.extract %slice3A_39[0] : f32 from vector<1xf32>
          %slice3A_41 = vector.extract_strided_slice %get3A_36 {offsets = [3], sizes = [1], strides = [1]} : vector<16xf32> to vector<1xf32>
          %squeeze3A_42 = vector.extract %slice3A_41[0] : f32 from vector<1xf32>
          %slice3A_43 = vector.extract_strided_slice %get3A_36 {offsets = [4], sizes = [1], strides = [1]} : vector<16xf32> to vector<1xf32>
          %squeeze3A_44 = vector.extract %slice3A_43[0] : f32 from vector<1xf32>
          %slice3A_45 = vector.extract_strided_slice %get3A_36 {offsets = [5], sizes = [1], strides = [1]} : vector<16xf32> to vector<1xf32>
          %squeeze3A_46 = vector.extract %slice3A_45[0] : f32 from vector<1xf32>
          %slice3A_47 = vector.extract_strided_slice %get3A_36 {offsets = [6], sizes = [1], strides = [1]} : vector<16xf32> to vector<1xf32>
          %squeeze3A_48 = vector.extract %slice3A_47[0] : f32 from vector<1xf32>
          %slice3A_49 = vector.extract_strided_slice %get3A_36 {offsets = [7], sizes = [1], strides = [1]} : vector<16xf32> to vector<1xf32>
          %squeeze3A_50 = vector.extract %slice3A_49[0] : f32 from vector<1xf32>
          %slice3A_51 = vector.extract_strided_slice %get3A_36 {offsets = [8], sizes = [1], strides = [1]} : vector<16xf32> to vector<1xf32>
          %squeeze3A_52 = vector.extract %slice3A_51[0] : f32 from vector<1xf32>
          %slice3A_53 = vector.extract_strided_slice %get3A_36 {offsets = [9], sizes = [1], strides = [1]} : vector<16xf32> to vector<1xf32>
          %squeeze3A_54 = vector.extract %slice3A_53[0] : f32 from vector<1xf32>
          %slice3A_55 = vector.extract_strided_slice %get3A_36 {offsets = [10], sizes = [1], strides = [1]} : vector<16xf32> to vector<1xf32>
          %squeeze3A_56 = vector.extract %slice3A_55[0] : f32 from vector<1xf32>
          %slice3A_57 = vector.extract_strided_slice %get3A_36 {offsets = [11], sizes = [1], strides = [1]} : vector<16xf32> to vector<1xf32>
          %squeeze3A_58 = vector.extract %slice3A_57[0] : f32 from vector<1xf32>
          %slice3A_59 = vector.extract_strided_slice %get3A_36 {offsets = [12], sizes = [1], strides = [1]} : vector<16xf32> to vector<1xf32>
          %squeeze3A_60 = vector.extract %slice3A_59[0] : f32 from vector<1xf32>
          %slice3A_61 = vector.extract_strided_slice %get3A_36 {offsets = [13], sizes = [1], strides = [1]} : vector<16xf32> to vector<1xf32>
          %squeeze3A_62 = vector.extract %slice3A_61[0] : f32 from vector<1xf32>
          %slice3A_63 = vector.extract_strided_slice %get3A_36 {offsets = [14], sizes = [1], strides = [1]} : vector<16xf32> to vector<1xf32>
          %squeeze3A_64 = vector.extract %slice3A_63[0] : f32 from vector<1xf32>
          %slice3A_65 = vector.extract_strided_slice %get3A_36 {offsets = [15], sizes = [1], strides = [1]} : vector<16xf32> to vector<1xf32>
          %squeeze3A_66 = vector.extract %slice3A_65[0] : f32 from vector<1xf32>
          %max3A = arith.maximumf %squeeze3A, %squeeze3A_38 : f32
          %max3A_67 = arith.maximumf %squeeze3A_40, %squeeze3A_42 : f32
          %max3A_68 = arith.maximumf %squeeze3A_44, %squeeze3A_46 : f32
          %max3A_69 = arith.maximumf %squeeze3A_48, %squeeze3A_50 : f32
          %max3A_70 = arith.maximumf %squeeze3A_52, %squeeze3A_54 : f32
          %max3A_71 = arith.maximumf %squeeze3A_56, %squeeze3A_58 : f32
          %max3A_72 = arith.maximumf %squeeze3A_60, %squeeze3A_62 : f32
          %max3A_73 = arith.maximumf %squeeze3A_64, %squeeze3A_66 : f32
          %max3A_74 = arith.maximumf %max3A, %max3A_67 : f32
          %max3A_75 = arith.maximumf %max3A_68, %max3A_69 : f32
          %max3A_76 = arith.maximumf %max3A_70, %max3A_71 : f32
          %max3A_77 = arith.maximumf %max3A_72, %max3A_73 : f32
          %max3A_78 = arith.maximumf %max3A_74, %max3A_75 : f32
          %max3A_79 = arith.maximumf %max3A_76, %max3A_77 : f32
          %max3A_80 = arith.maximumf %max3A_78, %max3A_79 : f32
          %convert_element_type3A_81 = arith.sitofp %scan3A_28 : i32 to f32
          %eq3A = vector.broadcast %convert_element_type3A_81 : f32 to vector<16xf32>
          %eq3A_82 = arith.cmpf oeq, %convert_element_type3A_3, %eq3A : vector<16xf32>
          %broadcast_in_dim3A_83 = vector.broadcast %max3A_80 : f32 to vector<16xf32>
          %select_n3A = arith.select %eq3A_82, %broadcast_in_dim3A_83, %scan3A_29 : vector<16xi1>, vector<16xf32>
          scf.yield %select_n3A : vector<16xf32>
        }
        %scan3A_22 = arith.constant 16 : i32
        %mul3A_23 = arith.constant 16 : i32
        %mul3A_24 = arith.muli %scan3A_15, %mul3A_23 : i32
        %swap3A = arith.index_cast %mul3A_24 : i32 to index
        %swap3A_25 = tpu.vector_load %arg8[%swap3A] {strides = array<i32>} : memref<64xf32, #tpu.memory_space<vmem>>, vector<16xf32>,
        %swap3A_26 = vector.shape_cast %swap3A_25 : vector<16xf32> to vector<16xf32>
        %swap3A_27 = vector.shape_cast %scan3A_21 : vector<16xf32> to vector<16xf32>
        tpu.vector_store %arg8[%swap3A], %swap3A_27 {strides = array<i32>} : memref<64xf32, #tpu.memory_space<vmem>>, vector<16xf32>,
      }
      %scan3A_8 = arith.constant 4 : i32
      %scan3A_9 = arith.constant 0 : i32
      %scan3A_10 = arith.constant 0 : i32
      %scan3A_11 = arith.constant 50 : i32
      %scan3A_12 = arith.addi %scan3A_10, %scan3A_11 : i32
      %scan3A_13 = arith.constant 1 : i32
      scf.for %scan3A_15 = %scan3A_10 to %scan3A_12 step %scan3A_13  : i32 {
        %broadcast_in_dim3A = arith.constant -3.000000e+00 : f32
        %broadcast_in_dim3A_16 = vector.broadcast %broadcast_in_dim3A : f32 to vector<16xf32>
        %scan3A_17 = arith.constant 0 : i32
        %scan3A_18 = arith.constant 4 : i32
        %scan3A_19 = arith.addi %scan3A_17, %scan3A_18 : i32
        %scan3A_20 = arith.constant 1 : i32
        %scan3A_21 = scf.for %scan3A_628 = %scan3A_17 to %scan3A_19 step %scan3A_20 iter_args(%scan3A_629 = %broadcast_in_dim3A_16) -> (vector<16xf32>)  : i32 {
          %mul3A_630 = arith.constant 16 : i32
          %mul3A_631 = arith.muli %scan3A_628, %mul3A_630 : i32
          %get3A_632 = arith.index_cast %mul3A_631 : i32 to index
          %get3A_633 = tpu.vector_load %arg8[%get3A_632] {strides = array<i32>} : memref<64xf32, #tpu.memory_space<vmem>>, vector<16xf32>,
          %get3A_634 = vector.shape_cast %get3A_633 : vector<16xf32> to vector<16xf32>
          %max3A_635 = arith.maximumf %scan3A_629, %get3A_634 : vector<16xf32>
          scf.yield %max3A_635 : vector<16xf32>
        }
        %scan3A_22 = arith.constant 4 : i32
        %slice3A = vector.extract_strided_slice %scan3A_21 {offsets = [0], sizes = [1], strides = [1]} : vector<16xf32> to vector<1xf32>
        %squeeze3A = vector.extract %slice3A[0] : f32 from vector<1xf32>
        %slice3A_23 = vector.extract_strided_slice %scan3A_21 {offsets = [1], sizes = [1], strides = [1]} : vector<16xf32> to vector<1xf32>
        %squeeze3A_24 = vector.extract %slice3A_23[0] : f32 from vector<1xf32>
        %slice3A_25 = vector.extract_strided_slice %scan3A_21 {offsets = [2], sizes = [1], strides = [1]} : vector<16xf32> to vector<1xf32>
        %squeeze3A_26 = vector.extract %slice3A_25[0] : f32 from vector<1xf32>
        %slice3A_27 = vector.extract_strided_slice %scan3A_21 {offsets = [3], sizes = [1], strides = [1]} : vector<16xf32> to vector<1xf32>
        %squeeze3A_28 = vector.extract %slice3A_27[0] : f32 from vector<1xf32>
        %slice3A_29 = vector.extract_strided_slice %scan3A_21 {offsets = [4], sizes = [1], strides = [1]} : vector<16xf32> to vector<1xf32>
        %squeeze3A_30 = vector.extract %slice3A_29[0] : f32 from vector<1xf32>
        %slice3A_31 = vector.extract_strided_slice %scan3A_21 {offsets = [5], sizes = [1], strides = [1]} : vector<16xf32> to vector<1xf32>
        %squeeze3A_32 = vector.extract %slice3A_31[0] : f32 from vector<1xf32>
        %slice3A_33 = vector.extract_strided_slice %scan3A_21 {offsets = [6], sizes = [1], strides = [1]} : vector<16xf32> to vector<1xf32>
        %squeeze3A_34 = vector.extract %slice3A_33[0] : f32 from vector<1xf32>
        %slice3A_35 = vector.extract_strided_slice %scan3A_21 {offsets = [7], sizes = [1], strides = [1]} : vector<16xf32> to vector<1xf32>
        %squeeze3A_36 = vector.extract %slice3A_35[0] : f32 from vector<1xf32>
        %slice3A_37 = vector.extract_strided_slice %scan3A_21 {offsets = [8], sizes = [1], strides = [1]} : vector<16xf32> to vector<1xf32>
        %squeeze3A_38 = vector.extract %slice3A_37[0] : f32 from vector<1xf32>
        %slice3A_39 = vector.extract_strided_slice %scan3A_21 {offsets = [9], sizes = [1], strides = [1]} : vector<16xf32> to vector<1xf32>
        %squeeze3A_40 = vector.extract %slice3A_39[0] : f32 from vector<1xf32>
        %slice3A_41 = vector.extract_strided_slice %scan3A_21 {offsets = [10], sizes = [1], strides = [1]} : vector<16xf32> to vector<1xf32>
        %squeeze3A_42 = vector.extract %slice3A_41[0] : f32 from vector<1xf32>
        %slice3A_43 = vector.extract_strided_slice %scan3A_21 {offsets = [11], sizes = [1], strides = [1]} : vector<16xf32> to vector<1xf32>
        %squeeze3A_44 = vector.extract %slice3A_43[0] : f32 from vector<1xf32>
        %slice3A_45 = vector.extract_strided_slice %scan3A_21 {offsets = [12], sizes = [1], strides = [1]} : vector<16xf32> to vector<1xf32>
        %squeeze3A_46 = vector.extract %slice3A_45[0] : f32 from vector<1xf32>
        %slice3A_47 = vector.extract_strided_slice %scan3A_21 {offsets = [13], sizes = [1], strides = [1]} : vector<16xf32> to vector<1xf32>
        %squeeze3A_48 = vector.extract %slice3A_47[0] : f32 from vector<1xf32>
        %slice3A_49 = vector.extract_strided_slice %scan3A_21 {offsets = [14], sizes = [1], strides = [1]} : vector<16xf32> to vector<1xf32>
        %squeeze3A_50 = vector.extract %slice3A_49[0] : f32 from vector<1xf32>
        %slice3A_51 = vector.extract_strided_slice %scan3A_21 {offsets = [15], sizes = [1], strides = [1]} : vector<16xf32> to vector<1xf32>
        %squeeze3A_52 = vector.extract %slice3A_51[0] : f32 from vector<1xf32>
        %max3A = arith.maximumf %squeeze3A, %squeeze3A_24 : f32
        %max3A_53 = arith.maximumf %squeeze3A_26, %squeeze3A_28 : f32
        %max3A_54 = arith.maximumf %squeeze3A_30, %squeeze3A_32 : f32
        %max3A_55 = arith.maximumf %squeeze3A_34, %squeeze3A_36 : f32
        %max3A_56 = arith.maximumf %squeeze3A_38, %squeeze3A_40 : f32
        %max3A_57 = arith.maximumf %squeeze3A_42, %squeeze3A_44 : f32
        %max3A_58 = arith.maximumf %squeeze3A_46, %squeeze3A_48 : f32
        %max3A_59 = arith.maximumf %squeeze3A_50, %squeeze3A_52 : f32
        %max3A_60 = arith.maximumf %max3A, %max3A_53 : f32
        %max3A_61 = arith.maximumf %max3A_54, %max3A_55 : f32
        %max3A_62 = arith.maximumf %max3A_56, %max3A_57 : f32
        %max3A_63 = arith.maximumf %max3A_58, %max3A_59 : f32
        %max3A_64 = arith.maximumf %max3A_60, %max3A_61 : f32
        %max3A_65 = arith.maximumf %max3A_62, %max3A_63 : f32
        %max3A_66 = arith.maximumf %max3A_64, %max3A_65 : f32
        %broadcast_in_dim3A_67 = arith.constant 1073741824 : i32
        %broadcast_in_dim3A_68 = vector.broadcast %broadcast_in_dim3A_67 : i32 to vector<16xi32>
        %scan3A_69 = arith.constant 0 : i32
        %scan3A_70 = arith.constant 4 : i32
        %scan3A_71 = arith.addi %scan3A_69, %scan3A_70 : i32
        %scan3A_72 = arith.constant 1 : i32
        %scan3A_73 = scf.for %scan3A_628 = %scan3A_69 to %scan3A_71 step %scan3A_72 iter_args(%scan3A_629 = %broadcast_in_dim3A_68) -> (vector<16xi32>)  : i32 {
          %mul3A_630 = arith.constant 16 : i32
          %mul3A_631 = arith.muli %scan3A_628, %mul3A_630 : i32
          %get3A_632 = arith.index_cast %mul3A_631 : i32 to index
          %get3A_633 = tpu.vector_load %arg8[%get3A_632] {strides = array<i32>} : memref<64xf32, #tpu.memory_space<vmem>>, vector<16xf32>,
          %get3A_634 = vector.shape_cast %get3A_633 : vector<16xf32> to vector<16xf32>
          %eq3A_635 = vector.broadcast %max3A_66 : f32 to vector<16xf32>
          %eq3A_636 = arith.cmpf oeq, %get3A_634, %eq3A_635 : vector<16xf32>
          %mul3A_637 = arith.constant 16 : i32
          %mul3A_638 = arith.muli %scan3A_628, %mul3A_637 : i32
          %add3A_639 = vector.broadcast %mul3A_638 : i32 to vector<16xi32>
          %add3A_640 = arith.addi %iota3A, %add3A_639 : vector<16xi32>
          %jit3A_641 = arith.constant 1073741824 : i32
          %broadcast_in_dim3A_642 = vector.broadcast %jit3A_641 : i32 to vector<16xi32>
          %select_n3A_643 = arith.select %eq3A_636, %add3A_640, %broadcast_in_dim3A_642 : vector<16xi1>, vector<16xi32>
          %min3A_644 = arith.minsi %scan3A_629, %select_n3A_643 : vector<16xi32>
          scf.yield %min3A_644 : vector<16xi32>
        }
        %scan3A_74 = arith.constant 4 : i32
        %slice3A_75 = vector.extract_strided_slice %scan3A_73 {offsets = [0], sizes = [1], strides = [1]} : vector<16xi32> to vector<1xi32>
        %squeeze3A_76 = vector.extract %slice3A_75[0] : i32 from vector<1xi32>
        %slice3A_77 = vector.extract_strided_slice %scan3A_73 {offsets = [1], sizes = [1], strides = [1]} : vector<16xi32> to vector<1xi32>
        %squeeze3A_78 = vector.extract %slice3A_77[0] : i32 from vector<1xi32>
        %slice3A_79 = vector.extract_strided_slice %scan3A_73 {offsets = [2], sizes = [1], strides = [1]} : vector<16xi32> to vector<1xi32>
        %squeeze3A_80 = vector.extract %slice3A_79[0] : i32 from vector<1xi32>
        %slice3A_81 = vector.extract_strided_slice %scan3A_73 {offsets = [3], sizes = [1], strides = [1]} : vector<16xi32> to vector<1xi32>
        %squeeze3A_82 = vector.extract %slice3A_81[0] : i32 from vector<1xi32>
        %slice3A_83 = vector.extract_strided_slice %scan3A_73 {offsets = [4], sizes = [1], strides = [1]} : vector<16xi32> to vector<1xi32>
        %squeeze3A_84 = vector.extract %slice3A_83[0] : i32 from vector<1xi32>
        %slice3A_85 = vector.extract_strided_slice %scan3A_73 {offsets = [5], sizes = [1], strides = [1]} : vector<16xi32> to vector<1xi32>
        %squeeze3A_86 = vector.extract %slice3A_85[0] : i32 from vector<1xi32>
        %slice3A_87 = vector.extract_strided_slice %scan3A_73 {offsets = [6], sizes = [1], strides = [1]} : vector<16xi32> to vector<1xi32>
        %squeeze3A_88 = vector.extract %slice3A_87[0] : i32 from vector<1xi32>
        %slice3A_89 = vector.extract_strided_slice %scan3A_73 {offsets = [7], sizes = [1], strides = [1]} : vector<16xi32> to vector<1xi32>
        %squeeze3A_90 = vector.extract %slice3A_89[0] : i32 from vector<1xi32>
        %slice3A_91 = vector.extract_strided_slice %scan3A_73 {offsets = [8], sizes = [1], strides = [1]} : vector<16xi32> to vector<1xi32>
        %squeeze3A_92 = vector.extract %slice3A_91[0] : i32 from vector<1xi32>
        %slice3A_93 = vector.extract_strided_slice %scan3A_73 {offsets = [9], sizes = [1], strides = [1]} : vector<16xi32> to vector<1xi32>
        %squeeze3A_94 = vector.extract %slice3A_93[0] : i32 from vector<1xi32>
        %slice3A_95 = vector.extract_strided_slice %scan3A_73 {offsets = [10], sizes = [1], strides = [1]} : vector<16xi32> to vector<1xi32>
        %squeeze3A_96 = vector.extract %slice3A_95[0] : i32 from vector<1xi32>
        %slice3A_97 = vector.extract_strided_slice %scan3A_73 {offsets = [11], sizes = [1], strides = [1]} : vector<16xi32> to vector<1xi32>
        %squeeze3A_98 = vector.extract %slice3A_97[0] : i32 from vector<1xi32>
        %slice3A_99 = vector.extract_strided_slice %scan3A_73 {offsets = [12], sizes = [1], strides = [1]} : vector<16xi32> to vector<1xi32>
        %squeeze3A_100 = vector.extract %slice3A_99[0] : i32 from vector<1xi32>
        %slice3A_101 = vector.extract_strided_slice %scan3A_73 {offsets = [13], sizes = [1], strides = [1]} : vector<16xi32> to vector<1xi32>
        %squeeze3A_102 = vector.extract %slice3A_101[0] : i32 from vector<1xi32>
        %slice3A_103 = vector.extract_strided_slice %scan3A_73 {offsets = [14], sizes = [1], strides = [1]} : vector<16xi32> to vector<1xi32>
        %squeeze3A_104 = vector.extract %slice3A_103[0] : i32 from vector<1xi32>
        %slice3A_105 = vector.extract_strided_slice %scan3A_73 {offsets = [15], sizes = [1], strides = [1]} : vector<16xi32> to vector<1xi32>
        %squeeze3A_106 = vector.extract %slice3A_105[0] : i32 from vector<1xi32>
        %min3A = arith.minsi %squeeze3A_76, %squeeze3A_78 : i32
        %min3A_107 = arith.minsi %squeeze3A_80, %squeeze3A_82 : i32
        %min3A_108 = arith.minsi %squeeze3A_84, %squeeze3A_86 : i32
        %min3A_109 = arith.minsi %squeeze3A_88, %squeeze3A_90 : i32
        %min3A_110 = arith.minsi %squeeze3A_92, %squeeze3A_94 : i32
        %min3A_111 = arith.minsi %squeeze3A_96, %squeeze3A_98 : i32
        %min3A_112 = arith.minsi %squeeze3A_100, %squeeze3A_102 : i32
        %min3A_113 = arith.minsi %squeeze3A_104, %squeeze3A_106 : i32
        %min3A_114 = arith.minsi %min3A, %min3A_107 : i32
        %min3A_115 = arith.minsi %min3A_108, %min3A_109 : i32
        %min3A_116 = arith.minsi %min3A_110, %min3A_111 : i32
        %min3A_117 = arith.minsi %min3A_112, %min3A_113 : i32
        %min3A_118 = arith.minsi %min3A_114, %min3A_115 : i32
        %min3A_119 = arith.minsi %min3A_116, %min3A_117 : i32
        %min3A_120 = arith.minsi %min3A_118, %min3A_119 : i32
        %mul3A_121 = arith.constant 16 : i32
        %mul3A_122 = arith.muli %min3A_120, %mul3A_121 : i32
        %get3A = arith.index_cast %mul3A_122 : i32 to index
        %get3A_123 = tpu.vector_load %arg7[%get3A] {strides = array<i32>} : memref<1024xf32, #tpu.memory_space<vmem>>, vector<16xf32>,
        %get3A_124 = vector.shape_cast %get3A_123 : vector<16xf32> to vector<16xf32>
        %eq3A = vector.broadcast %max3A_66 : f32 to vector<16xf32>
        %eq3A_125 = arith.cmpf oeq, %get3A_124, %eq3A : vector<16xf32>
        %mul3A_126 = arith.constant 16 : i32
        %mul3A_127 = arith.muli %min3A_120, %mul3A_126 : i32
        %add3A_128 = vector.broadcast %mul3A_127 : i32 to vector<16xi32>
        %add3A_129 = arith.addi %iota3A, %add3A_128 : vector<16xi32>
        %jit3A = arith.constant 1073741824 : i32
        %broadcast_in_dim3A_130 = vector.broadcast %jit3A : i32 to vector<16xi32>
        %select_n3A = arith.select %eq3A_125, %add3A_129, %broadcast_in_dim3A_130 : vector<16xi1>, vector<16xi32>
        %slice3A_131 = vector.extract_strided_slice %select_n3A {offsets = [0], sizes = [1], strides = [1]} : vector<16xi32> to vector<1xi32>
        %squeeze3A_132 = vector.extract %slice3A_131[0] : i32 from vector<1xi32>
        %slice3A_133 = vector.extract_strided_slice %select_n3A {offsets = [1], sizes = [1], strides = [1]} : vector<16xi32> to vector<1xi32>
        %squeeze3A_134 = vector.extract %slice3A_133[0] : i32 from vector<1xi32>
        %slice3A_135 = vector.extract_strided_slice %select_n3A {offsets = [2], sizes = [1], strides = [1]} : vector<16xi32> to vector<1xi32>
        %squeeze3A_136 = vector.extract %slice3A_135[0] : i32 from vector<1xi32>
        %slice3A_137 = vector.extract_strided_slice %select_n3A {offsets = [3], sizes = [1], strides = [1]} : vector<16xi32> to vector<1xi32>
        %squeeze3A_138 = vector.extract %slice3A_137[0] : i32 from vector<1xi32>
        %slice3A_139 = vector.extract_strided_slice %select_n3A {offsets = [4], sizes = [1], strides = [1]} : vector<16xi32> to vector<1xi32>
        %squeeze3A_140 = vector.extract %slice3A_139[0] : i32 from vector<1xi32>
        %slice3A_141 = vector.extract_strided_slice %select_n3A {offsets = [5], sizes = [1], strides = [1]} : vector<16xi32> to vector<1xi32>
        %squeeze3A_142 = vector.extract %slice3A_141[0] : i32 from vector<1xi32>
        %slice3A_143 = vector.extract_strided_slice %select_n3A {offsets = [6], sizes = [1], strides = [1]} : vector<16xi32> to vector<1xi32>
        %squeeze3A_144 = vector.extract %slice3A_143[0] : i32 from vector<1xi32>
        %slice3A_145 = vector.extract_strided_slice %select_n3A {offsets = [7], sizes = [1], strides = [1]} : vector<16xi32> to vector<1xi32>
        %squeeze3A_146 = vector.extract %slice3A_145[0] : i32 from vector<1xi32>
        %slice3A_147 = vector.extract_strided_slice %select_n3A {offsets = [8], sizes = [1], strides = [1]} : vector<16xi32> to vector<1xi32>
        %squeeze3A_148 = vector.extract %slice3A_147[0] : i32 from vector<1xi32>
        %slice3A_149 = vector.extract_strided_slice %select_n3A {offsets = [9], sizes = [1], strides = [1]} : vector<16xi32> to vector<1xi32>
        %squeeze3A_150 = vector.extract %slice3A_149[0] : i32 from vector<1xi32>
        %slice3A_151 = vector.extract_strided_slice %select_n3A {offsets = [10], sizes = [1], strides = [1]} : vector<16xi32> to vector<1xi32>
        %squeeze3A_152 = vector.extract %slice3A_151[0] : i32 from vector<1xi32>
        %slice3A_153 = vector.extract_strided_slice %select_n3A {offsets = [11], sizes = [1], strides = [1]} : vector<16xi32> to vector<1xi32>
        %squeeze3A_154 = vector.extract %slice3A_153[0] : i32 from vector<1xi32>
        %slice3A_155 = vector.extract_strided_slice %select_n3A {offsets = [12], sizes = [1], strides = [1]} : vector<16xi32> to vector<1xi32>
        %squeeze3A_156 = vector.extract %slice3A_155[0] : i32 from vector<1xi32>
        %slice3A_157 = vector.extract_strided_slice %select_n3A {offsets = [13], sizes = [1], strides = [1]} : vector<16xi32> to vector<1xi32>
        %squeeze3A_158 = vector.extract %slice3A_157[0] : i32 from vector<1xi32>
        %slice3A_159 = vector.extract_strided_slice %select_n3A {offsets = [14], sizes = [1], strides = [1]} : vector<16xi32> to vector<1xi32>
        %squeeze3A_160 = vector.extract %slice3A_159[0] : i32 from vector<1xi32>
        %slice3A_161 = vector.extract_strided_slice %select_n3A {offsets = [15], sizes = [1], strides = [1]} : vector<16xi32> to vector<1xi32>
        %squeeze3A_162 = vector.extract %slice3A_161[0] : i32 from vector<1xi32>
        %min3A_163 = arith.minsi %squeeze3A_132, %squeeze3A_134 : i32
        %min3A_164 = arith.minsi %squeeze3A_136, %squeeze3A_138 : i32
        %min3A_165 = arith.minsi %squeeze3A_140, %squeeze3A_142 : i32
        %min3A_166 = arith.minsi %squeeze3A_144, %squeeze3A_146 : i32
        %min3A_167 = arith.minsi %squeeze3A_148, %squeeze3A_150 : i32
        %min3A_168 = arith.minsi %squeeze3A_152, %squeeze3A_154 : i32
        %min3A_169 = arith.minsi %squeeze3A_156, %squeeze3A_158 : i32
        %min3A_170 = arith.minsi %squeeze3A_160, %squeeze3A_162 : i32
        %min3A_171 = arith.minsi %min3A_163, %min3A_164 : i32
        %min3A_172 = arith.minsi %min3A_165, %min3A_166 : i32
        %min3A_173 = arith.minsi %min3A_167, %min3A_168 : i32
        %min3A_174 = arith.minsi %min3A_169, %min3A_170 : i32
        %min3A_175 = arith.minsi %min3A_171, %min3A_172 : i32
        %min3A_176 = arith.minsi %min3A_173, %min3A_174 : i32
        %min3A_177 = arith.minsi %min3A_175, %min3A_176 : i32
        %mul3A_178 = arith.constant 8 : i32
        %mul3A_179 = arith.muli %min3A_177, %mul3A_178 : i32
        %add3A_180 = arith.addi %mul3A_179, %add3A : i32
        "tpu.region"() ({
          %run_scoped3A = tpu.sem_alloc : memref<!tpu.dma_semaphore, #tpu.memory_space<semaphore_mem>>
          %dma_start3A = arith.constant 0 : i32
          %dma_start3A_628 = tpu.memref_slice %arg2[%add3A_180, %dma_start3A] : memref<8192x400xf32, #tpu.memory_space<hbm>> -> memref<1x400xf32, #tpu.memory_space<hbm>>
          %dma_start3A_629 = tpu.memref_squeeze %dma_start3A_628 : memref<1x400xf32, #tpu.memory_space<hbm>> -> memref<400xf32, #tpu.memory_space<hbm>>
          %dma_start3A_630 = arith.constant 0 : i32
          %dma_start3A_631 = tpu.memref_slice %arg2[%add3A_180, %dma_start3A_630] : memref<8192x400xf32, #tpu.memory_space<hbm>> -> memref<1x400xf32, #tpu.memory_space<hbm>>
          %dma_start3A_632 = tpu.memref_squeeze %dma_start3A_631 : memref<1x400xf32, #tpu.memory_space<hbm>> -> memref<400xf32, #tpu.memory_space<hbm>>
          tpu.enqueue_dma source(%dma_start3A_632 : memref<400xf32, #tpu.memory_space<hbm>>) target(%arg9 : memref<400xf32, #tpu.memory_space<vmem>>) target_semaphore(%run_scoped3A : memref<!tpu.dma_semaphore, #tpu.memory_space<semaphore_mem>>)
          %dma_wait3A = arith.constant 0 : i32
          %dma_wait3A_633 = tpu.memref_slice %arg2[%add3A_180, %dma_wait3A] : memref<8192x400xf32, #tpu.memory_space<hbm>> -> memref<1x400xf32, #tpu.memory_space<hbm>>
          %dma_wait3A_634 = tpu.memref_squeeze %dma_wait3A_633 : memref<1x400xf32, #tpu.memory_space<hbm>> -> memref<400xf32, #tpu.memory_space<hbm>>
          %dma_wait3A_635 = arith.constant 0 : i32
          %dma_wait3A_636 = tpu.memref_slice %arg2[%add3A_180, %dma_wait3A_635] : memref<8192x400xf32, #tpu.memory_space<hbm>> -> memref<1x400xf32, #tpu.memory_space<hbm>>
          %dma_wait3A_637 = tpu.memref_squeeze %dma_wait3A_636 : memref<1x400xf32, #tpu.memory_space<hbm>> -> memref<400xf32, #tpu.memory_space<hbm>>
          tpu.wait_dma2 semaphore(%run_scoped3A : memref<!tpu.dma_semaphore, #tpu.memory_space<semaphore_mem>>) src(%dma_wait3A_637 : memref<400xf32, #tpu.memory_space<hbm>>) dst(%arg9 : memref<400xf32, #tpu.memory_space<vmem>>)
          tpu.yield
        }) : () -> ()
        %while3A = arith.constant 0 : i32
        %while3A_181 = arith.constant 0 : i32
        %while3A_182 = arith.subi %scan3A_15, %while3A_181 : i32
        %while3A_183 = arith.addi %while3A_181, %while3A_182 : i32
        %while3A_184 = arith.constant 1 : i32
        %while3A_185 = arith.divsi %while3A_182, %while3A_184 : i32
        %while3A_186 = arith.muli %while3A_185, %while3A_184 : i32
        %while3A_187 = arith.addi %while3A_181, %while3A_186 : i32
        %while3A_188 = arith.constant 1 : i32
        scf.for %while3A_628 = %while3A_181 to %while3A_187 step %while3A_188  : i32 {
          %jit3A_629 = arith.constant 16 : i32
          %div3A_630 = arith.divsi %while3A_628, %jit3A_629 : i32
          %sign3A_631 = arith.constant 0 : i32
          %sign3A_632 = arith.cmpi sgt, %while3A_628, %sign3A_631 : i32
          %sign3A_633 = arith.extui %sign3A_632 : i1 to i32
          %sign3A_634 = arith.constant 0 : i32
          %sign3A_635 = arith.cmpi slt, %while3A_628, %sign3A_634 : i32
          %sign3A_636 = arith.extui %sign3A_635 : i1 to i32
          %sign3A_637 = arith.subi %sign3A_633, %sign3A_636 : i32
          %sign3A_638 = arith.constant 0 : i32
          %sign3A_639 = arith.cmpi sgt, %jit3A_629, %sign3A_638 : i32
          %sign3A_640 = arith.extui %sign3A_639 : i1 to i32
          %sign3A_641 = arith.constant 0 : i32
          %sign3A_642 = arith.cmpi slt, %jit3A_629, %sign3A_641 : i32
          %sign3A_643 = arith.extui %sign3A_642 : i1 to i32
          %sign3A_644 = arith.subi %sign3A_640, %sign3A_643 : i32
          %ne3A_645 = arith.cmpi ne, %sign3A_637, %sign3A_644 : i32
          %rem3A_646 = arith.remsi %while3A_628, %jit3A_629 : i32
          %ne3A_647 = arith.constant 0 : i32
          %ne3A_648 = arith.cmpi ne, %rem3A_646, %ne3A_647 : i32
          %and3A_649 = arith.andi %ne3A_645, %ne3A_648 : i1
          %sub3A_650 = arith.constant 1 : i32
          %sub3A_651 = arith.subi %div3A_630, %sub3A_650 : i32
          %select_n3A_652 = arith.select %and3A_649, %sub3A_651, %div3A_630 : i32
          %mul3A_653 = arith.constant 16 : i32
          %mul3A_654 = arith.muli %select_n3A_652, %mul3A_653 : i32
          %get3A_655 = arith.index_cast %mul3A_654 : i32 to index
          %get3A_656 = tpu.vector_load %arg12[%get3A_655] {strides = array<i32>} : memref<64xi32, #tpu.memory_space<vmem>>, vector<16xi32>,
          %get3A_657 = vector.shape_cast %get3A_656 : vector<16xi32> to vector<16xi32>
          %add3A_658 = vector.broadcast %mul3A_654 : i32 to vector<16xi32>
          %add3A_659 = arith.addi %iota3A, %add3A_658 : vector<16xi32>
          %eq3A_660 = vector.broadcast %while3A_628 : i32 to vector<16xi32>
          %eq3A_661 = arith.cmpi eq, %add3A_659, %eq3A_660 : vector<16xi32>
          %jit3A_662 = arith.constant -1073741824 : i32
          %broadcast_in_dim3A_663 = vector.broadcast %jit3A_662 : i32 to vector<16xi32>
          %select_n3A_664 = arith.select %eq3A_661, %get3A_657, %broadcast_in_dim3A_663 : vector<16xi1>, vector<16xi32>
          %slice3A_665 = vector.extract_strided_slice %select_n3A_664 {offsets = [0], sizes = [1], strides = [1]} : vector<16xi32> to vector<1xi32>
          %squeeze3A_666 = vector.extract %slice3A_665[0] : i32 from vector<1xi32>
          %slice3A_667 = vector.extract_strided_slice %select_n3A_664 {offsets = [1], sizes = [1], strides = [1]} : vector<16xi32> to vector<1xi32>
          %squeeze3A_668 = vector.extract %slice3A_667[0] : i32 from vector<1xi32>
          %slice3A_669 = vector.extract_strided_slice %select_n3A_664 {offsets = [2], sizes = [1], strides = [1]} : vector<16xi32> to vector<1xi32>
          %squeeze3A_670 = vector.extract %slice3A_669[0] : i32 from vector<1xi32>
          %slice3A_671 = vector.extract_strided_slice %select_n3A_664 {offsets = [3], sizes = [1], strides = [1]} : vector<16xi32> to vector<1xi32>
          %squeeze3A_672 = vector.extract %slice3A_671[0] : i32 from vector<1xi32>
          %slice3A_673 = vector.extract_strided_slice %select_n3A_664 {offsets = [4], sizes = [1], strides = [1]} : vector<16xi32> to vector<1xi32>
          %squeeze3A_674 = vector.extract %slice3A_673[0] : i32 from vector<1xi32>
          %slice3A_675 = vector.extract_strided_slice %select_n3A_664 {offsets = [5], sizes = [1], strides = [1]} : vector<16xi32> to vector<1xi32>
          %squeeze3A_676 = vector.extract %slice3A_675[0] : i32 from vector<1xi32>
          %slice3A_677 = vector.extract_strided_slice %select_n3A_664 {offsets = [6], sizes = [1], strides = [1]} : vector<16xi32> to vector<1xi32>
          %squeeze3A_678 = vector.extract %slice3A_677[0] : i32 from vector<1xi32>
          %slice3A_679 = vector.extract_strided_slice %select_n3A_664 {offsets = [7], sizes = [1], strides = [1]} : vector<16xi32> to vector<1xi32>
          %squeeze3A_680 = vector.extract %slice3A_679[0] : i32 from vector<1xi32>
          %slice3A_681 = vector.extract_strided_slice %select_n3A_664 {offsets = [8], sizes = [1], strides = [1]} : vector<16xi32> to vector<1xi32>
          %squeeze3A_682 = vector.extract %slice3A_681[0] : i32 from vector<1xi32>
          %slice3A_683 = vector.extract_strided_slice %select_n3A_664 {offsets = [9], sizes = [1], strides = [1]} : vector<16xi32> to vector<1xi32>
          %squeeze3A_684 = vector.extract %slice3A_683[0] : i32 from vector<1xi32>
          %slice3A_685 = vector.extract_strided_slice %select_n3A_664 {offsets = [10], sizes = [1], strides = [1]} : vector<16xi32> to vector<1xi32>
          %squeeze3A_686 = vector.extract %slice3A_685[0] : i32 from vector<1xi32>
          %slice3A_687 = vector.extract_strided_slice %select_n3A_664 {offsets = [11], sizes = [1], strides = [1]} : vector<16xi32> to vector<1xi32>
          %squeeze3A_688 = vector.extract %slice3A_687[0] : i32 from vector<1xi32>
          %slice3A_689 = vector.extract_strided_slice %select_n3A_664 {offsets = [12], sizes = [1], strides = [1]} : vector<16xi32> to vector<1xi32>
          %squeeze3A_690 = vector.extract %slice3A_689[0] : i32 from vector<1xi32>
          %slice3A_691 = vector.extract_strided_slice %select_n3A_664 {offsets = [13], sizes = [1], strides = [1]} : vector<16xi32> to vector<1xi32>
          %squeeze3A_692 = vector.extract %slice3A_691[0] : i32 from vector<1xi32>
          %slice3A_693 = vector.extract_strided_slice %select_n3A_664 {offsets = [14], sizes = [1], strides = [1]} : vector<16xi32> to vector<1xi32>
          %squeeze3A_694 = vector.extract %slice3A_693[0] : i32 from vector<1xi32>
          %slice3A_695 = vector.extract_strided_slice %select_n3A_664 {offsets = [15], sizes = [1], strides = [1]} : vector<16xi32> to vector<1xi32>
          %squeeze3A_696 = vector.extract %slice3A_695[0] : i32 from vector<1xi32>
          %max3A_697 = arith.maxsi %squeeze3A_666, %squeeze3A_668 : i32
          %max3A_698 = arith.maxsi %squeeze3A_670, %squeeze3A_672 : i32
          %max3A_699 = arith.maxsi %squeeze3A_674, %squeeze3A_676 : i32
          %max3A_700 = arith.maxsi %squeeze3A_678, %squeeze3A_680 : i32
          %max3A_701 = arith.maxsi %squeeze3A_682, %squeeze3A_684 : i32
          %max3A_702 = arith.maxsi %squeeze3A_686, %squeeze3A_688 : i32
          %max3A_703 = arith.maxsi %squeeze3A_690, %squeeze3A_692 : i32
          %max3A_704 = arith.maxsi %squeeze3A_694, %squeeze3A_696 : i32
          %max3A_705 = arith.maxsi %max3A_697, %max3A_698 : i32
          %max3A_706 = arith.maxsi %max3A_699, %max3A_700 : i32
          %max3A_707 = arith.maxsi %max3A_701, %max3A_702 : i32
          %max3A_708 = arith.maxsi %max3A_703, %max3A_704 : i32
          %max3A_709 = arith.maxsi %max3A_705, %max3A_706 : i32
          %max3A_710 = arith.maxsi %max3A_707, %max3A_708 : i32
          %max3A_711 = arith.maxsi %max3A_709, %max3A_710 : i32
          %eq3A_712 = arith.cmpi eq, %max3A_711, %min3A_177 : i32
          %convert_element_type3A_713 = arith.extui %eq3A_712 : i1 to i32
          %cond3A_714 = arith.constant 0 : i32
          %cond3A_715 = arith.cmpi ne, %convert_element_type3A_713, %cond3A_714 : i32
          scf.if %cond3A_715 {
            %jit3A_716 = arith.constant 16 : i32
            %div3A_717 = arith.divsi %while3A_628, %jit3A_716 : i32
            %sign3A_718 = arith.constant 0 : i32
            %sign3A_719 = arith.cmpi sgt, %while3A_628, %sign3A_718 : i32
            %sign3A_720 = arith.extui %sign3A_719 : i1 to i32
            %sign3A_721 = arith.constant 0 : i32
            %sign3A_722 = arith.cmpi slt, %while3A_628, %sign3A_721 : i32
            %sign3A_723 = arith.extui %sign3A_722 : i1 to i32
            %sign3A_724 = arith.subi %sign3A_720, %sign3A_723 : i32
            %sign3A_725 = arith.constant 0 : i32
            %sign3A_726 = arith.cmpi sgt, %jit3A_716, %sign3A_725 : i32
            %sign3A_727 = arith.extui %sign3A_726 : i1 to i32
            %sign3A_728 = arith.constant 0 : i32
            %sign3A_729 = arith.cmpi slt, %jit3A_716, %sign3A_728 : i32
            %sign3A_730 = arith.extui %sign3A_729 : i1 to i32
            %sign3A_731 = arith.subi %sign3A_727, %sign3A_730 : i32
            %ne3A_732 = arith.cmpi ne, %sign3A_724, %sign3A_731 : i32
            %rem3A_733 = arith.remsi %while3A_628, %jit3A_716 : i32
            %ne3A_734 = arith.constant 0 : i32
            %ne3A_735 = arith.cmpi ne, %rem3A_733, %ne3A_734 : i32
            %and3A_736 = arith.andi %ne3A_732, %ne3A_735 : i1
            %sub3A_737 = arith.constant 1 : i32
            %sub3A_738 = arith.subi %div3A_717, %sub3A_737 : i32
            %select_n3A_739 = arith.select %and3A_736, %sub3A_738, %div3A_717 : i32
            %mul3A_740 = arith.constant 16 : i32
            %mul3A_741 = arith.muli %select_n3A_739, %mul3A_740 : i32
            %get3A_742 = arith.index_cast %mul3A_741 : i32 to index
            %get3A_743 = tpu.vector_load %arg11[%get3A_742] {strides = array<i32>} : memref<64xi32, #tpu.memory_space<vmem>>, vector<16xi32>,
            %get3A_744 = vector.shape_cast %get3A_743 : vector<16xi32> to vector<16xi32>
            %add3A_745 = vector.broadcast %mul3A_741 : i32 to vector<16xi32>
            %add3A_746 = arith.addi %iota3A, %add3A_745 : vector<16xi32>
            %eq3A_747 = vector.broadcast %while3A_628 : i32 to vector<16xi32>
            %eq3A_748 = arith.cmpi eq, %add3A_746, %eq3A_747 : vector<16xi32>
            %jit3A_749 = arith.constant -1073741824 : i32
            %broadcast_in_dim3A_750 = vector.broadcast %jit3A_749 : i32 to vector<16xi32>
            %select_n3A_751 = arith.select %eq3A_748, %get3A_744, %broadcast_in_dim3A_750 : vector<16xi1>, vector<16xi32>
            %slice3A_752 = vector.extract_strided_slice %select_n3A_751 {offsets = [0], sizes = [1], strides = [1]} : vector<16xi32> to vector<1xi32>
            %squeeze3A_753 = vector.extract %slice3A_752[0] : i32 from vector<1xi32>
            %slice3A_754 = vector.extract_strided_slice %select_n3A_751 {offsets = [1], sizes = [1], strides = [1]} : vector<16xi32> to vector<1xi32>
            %squeeze3A_755 = vector.extract %slice3A_754[0] : i32 from vector<1xi32>
            %slice3A_756 = vector.extract_strided_slice %select_n3A_751 {offsets = [2], sizes = [1], strides = [1]} : vector<16xi32> to vector<1xi32>
            %squeeze3A_757 = vector.extract %slice3A_756[0] : i32 from vector<1xi32>
            %slice3A_758 = vector.extract_strided_slice %select_n3A_751 {offsets = [3], sizes = [1], strides = [1]} : vector<16xi32> to vector<1xi32>
            %squeeze3A_759 = vector.extract %slice3A_758[0] : i32 from vector<1xi32>
            %slice3A_760 = vector.extract_strided_slice %select_n3A_751 {offsets = [4], sizes = [1], strides = [1]} : vector<16xi32> to vector<1xi32>
            %squeeze3A_761 = vector.extract %slice3A_760[0] : i32 from vector<1xi32>
            %slice3A_762 = vector.extract_strided_slice %select_n3A_751 {offsets = [5], sizes = [1], strides = [1]} : vector<16xi32> to vector<1xi32>
            %squeeze3A_763 = vector.extract %slice3A_762[0] : i32 from vector<1xi32>
            %slice3A_764 = vector.extract_strided_slice %select_n3A_751 {offsets = [6], sizes = [1], strides = [1]} : vector<16xi32> to vector<1xi32>
            %squeeze3A_765 = vector.extract %slice3A_764[0] : i32 from vector<1xi32>
            %slice3A_766 = vector.extract_strided_slice %select_n3A_751 {offsets = [7], sizes = [1], strides = [1]} : vector<16xi32> to vector<1xi32>
            %squeeze3A_767 = vector.extract %slice3A_766[0] : i32 from vector<1xi32>
            %slice3A_768 = vector.extract_strided_slice %select_n3A_751 {offsets = [8], sizes = [1], strides = [1]} : vector<16xi32> to vector<1xi32>
            %squeeze3A_769 = vector.extract %slice3A_768[0] : i32 from vector<1xi32>
            %slice3A_770 = vector.extract_strided_slice %select_n3A_751 {offsets = [9], sizes = [1], strides = [1]} : vector<16xi32> to vector<1xi32>
            %squeeze3A_771 = vector.extract %slice3A_770[0] : i32 from vector<1xi32>
            %slice3A_772 = vector.extract_strided_slice %select_n3A_751 {offsets = [10], sizes = [1], strides = [1]} : vector<16xi32> to vector<1xi32>
            %squeeze3A_773 = vector.extract %slice3A_772[0] : i32 from vector<1xi32>
            %slice3A_774 = vector.extract_strided_slice %select_n3A_751 {offsets = [11], sizes = [1], strides = [1]} : vector<16xi32> to vector<1xi32>
            %squeeze3A_775 = vector.extract %slice3A_774[0] : i32 from vector<1xi32>
            %slice3A_776 = vector.extract_strided_slice %select_n3A_751 {offsets = [12], sizes = [1], strides = [1]} : vector<16xi32> to vector<1xi32>
            %squeeze3A_777 = vector.extract %slice3A_776[0] : i32 from vector<1xi32>
            %slice3A_778 = vector.extract_strided_slice %select_n3A_751 {offsets = [13], sizes = [1], strides = [1]} : vector<16xi32> to vector<1xi32>
            %squeeze3A_779 = vector.extract %slice3A_778[0] : i32 from vector<1xi32>
            %slice3A_780 = vector.extract_strided_slice %select_n3A_751 {offsets = [14], sizes = [1], strides = [1]} : vector<16xi32> to vector<1xi32>
            %squeeze3A_781 = vector.extract %slice3A_780[0] : i32 from vector<1xi32>
            %slice3A_782 = vector.extract_strided_slice %select_n3A_751 {offsets = [15], sizes = [1], strides = [1]} : vector<16xi32> to vector<1xi32>
            %squeeze3A_783 = vector.extract %slice3A_782[0] : i32 from vector<1xi32>
            %max3A_784 = arith.maxsi %squeeze3A_753, %squeeze3A_755 : i32
            %max3A_785 = arith.maxsi %squeeze3A_757, %squeeze3A_759 : i32
            %max3A_786 = arith.maxsi %squeeze3A_761, %squeeze3A_763 : i32
            %max3A_787 = arith.maxsi %squeeze3A_765, %squeeze3A_767 : i32
            %max3A_788 = arith.maxsi %squeeze3A_769, %squeeze3A_771 : i32
            %max3A_789 = arith.maxsi %squeeze3A_773, %squeeze3A_775 : i32
            %max3A_790 = arith.maxsi %squeeze3A_777, %squeeze3A_779 : i32
            %max3A_791 = arith.maxsi %squeeze3A_781, %squeeze3A_783 : i32
            %max3A_792 = arith.maxsi %max3A_784, %max3A_785 : i32
            %max3A_793 = arith.maxsi %max3A_786, %max3A_787 : i32
            %max3A_794 = arith.maxsi %max3A_788, %max3A_789 : i32
            %max3A_795 = arith.maxsi %max3A_790, %max3A_791 : i32
            %max3A_796 = arith.maxsi %max3A_792, %max3A_793 : i32
            %max3A_797 = arith.maxsi %max3A_794, %max3A_795 : i32
            %max3A_798 = arith.maxsi %max3A_796, %max3A_797 : i32
            %jit3A_799 = arith.constant 16 : i32
            %div3A_800 = arith.divsi %max3A_798, %jit3A_799 : i32
            %sign3A_801 = arith.constant 0 : i32
            %sign3A_802 = arith.cmpi sgt, %max3A_798, %sign3A_801 : i32
            %sign3A_803 = arith.extui %sign3A_802 : i1 to i32
            %sign3A_804 = arith.constant 0 : i32
            %sign3A_805 = arith.cmpi slt, %max3A_798, %sign3A_804 : i32
            %sign3A_806 = arith.extui %sign3A_805 : i1 to i32
            %sign3A_807 = arith.subi %sign3A_803, %sign3A_806 : i32
            %sign3A_808 = arith.constant 0 : i32
            %sign3A_809 = arith.cmpi sgt, %jit3A_799, %sign3A_808 : i32
            %sign3A_810 = arith.extui %sign3A_809 : i1 to i32
            %sign3A_811 = arith.constant 0 : i32
            %sign3A_812 = arith.cmpi slt, %jit3A_799, %sign3A_811 : i32
            %sign3A_813 = arith.extui %sign3A_812 : i1 to i32
            %sign3A_814 = arith.subi %sign3A_810, %sign3A_813 : i32
            %ne3A_815 = arith.cmpi ne, %sign3A_807, %sign3A_814 : i32
            %rem3A_816 = arith.remsi %max3A_798, %jit3A_799 : i32
            %ne3A_817 = arith.constant 0 : i32
            %ne3A_818 = arith.cmpi ne, %rem3A_816, %ne3A_817 : i32
            %and3A_819 = arith.andi %ne3A_815, %ne3A_818 : i1
            %sub3A_820 = arith.constant 1 : i32
            %sub3A_821 = arith.subi %div3A_800, %sub3A_820 : i32
            %select_n3A_822 = arith.select %and3A_819, %sub3A_821, %div3A_800 : i32
            %mul3A_823 = arith.constant 16 : i32
            %mul3A_824 = arith.muli %select_n3A_822, %mul3A_823 : i32
            %get3A_825 = arith.index_cast %mul3A_824 : i32 to index
            %get3A_826 = tpu.vector_load %arg9[%get3A_825] {strides = array<i32>} : memref<400xf32, #tpu.memory_space<vmem>>, vector<16xf32>,
            %get3A_827 = vector.shape_cast %get3A_826 : vector<16xf32> to vector<16xf32>
            %add3A_828 = vector.broadcast %mul3A_824 : i32 to vector<16xi32>
            %add3A_829 = arith.addi %iota3A, %add3A_828 : vector<16xi32>
            %eq3A_830 = vector.broadcast %max3A_798 : i32 to vector<16xi32>
            %eq3A_831 = arith.cmpi eq, %add3A_829, %eq3A_830 : vector<16xi32>
            %jit3A_832 = arith.constant -1.000000e+00 : f32
            %broadcast_in_dim3A_833 = vector.broadcast %jit3A_832 : f32 to vector<16xf32>
            %select_n3A_834 = arith.select %eq3A_831, %broadcast_in_dim3A_833, %get3A_827 : vector<16xi1>, vector<16xf32>
            %swap3A_835 = arith.index_cast %mul3A_824 : i32 to index
            %swap3A_836 = tpu.vector_load %arg9[%swap3A_835] {strides = array<i32>} : memref<400xf32, #tpu.memory_space<vmem>>, vector<16xf32>,
            %swap3A_837 = vector.shape_cast %swap3A_836 : vector<16xf32> to vector<16xf32>
            %swap3A_838 = vector.shape_cast %select_n3A_834 : vector<16xf32> to vector<16xf32>
            tpu.vector_store %arg9[%swap3A_835], %swap3A_838 {strides = array<i32>} : memref<400xf32, #tpu.memory_space<vmem>>, vector<16xf32>,
          } else {
          }
        }
        %while3A_189 = arith.constant 1 : i32
        scf.for %while3A_628 = %while3A_187 to %while3A_183 step %while3A_189  : i32 {
          %jit3A_629 = arith.constant 16 : i32
          %div3A_630 = arith.divsi %while3A_628, %jit3A_629 : i32
          %sign3A_631 = arith.constant 0 : i32
          %sign3A_632 = arith.cmpi sgt, %while3A_628, %sign3A_631 : i32
          %sign3A_633 = arith.extui %sign3A_632 : i1 to i32
          %sign3A_634 = arith.constant 0 : i32
          %sign3A_635 = arith.cmpi slt, %while3A_628, %sign3A_634 : i32
          %sign3A_636 = arith.extui %sign3A_635 : i1 to i32
          %sign3A_637 = arith.subi %sign3A_633, %sign3A_636 : i32
          %sign3A_638 = arith.constant 0 : i32
          %sign3A_639 = arith.cmpi sgt, %jit3A_629, %sign3A_638 : i32
          %sign3A_640 = arith.extui %sign3A_639 : i1 to i32
          %sign3A_641 = arith.constant 0 : i32
          %sign3A_642 = arith.cmpi slt, %jit3A_629, %sign3A_641 : i32
          %sign3A_643 = arith.extui %sign3A_642 : i1 to i32
          %sign3A_644 = arith.subi %sign3A_640, %sign3A_643 : i32
          %ne3A_645 = arith.cmpi ne, %sign3A_637, %sign3A_644 : i32
          %rem3A_646 = arith.remsi %while3A_628, %jit3A_629 : i32
          %ne3A_647 = arith.constant 0 : i32
          %ne3A_648 = arith.cmpi ne, %rem3A_646, %ne3A_647 : i32
          %and3A_649 = arith.andi %ne3A_645, %ne3A_648 : i1
          %sub3A_650 = arith.constant 1 : i32
          %sub3A_651 = arith.subi %div3A_630, %sub3A_650 : i32
          %select_n3A_652 = arith.select %and3A_649, %sub3A_651, %div3A_630 : i32
          %mul3A_653 = arith.constant 16 : i32
          %mul3A_654 = arith.muli %select_n3A_652, %mul3A_653 : i32
          %get3A_655 = arith.index_cast %mul3A_654 : i32 to index
          %get3A_656 = tpu.vector_load %arg12[%get3A_655] {strides = array<i32>} : memref<64xi32, #tpu.memory_space<vmem>>, vector<16xi32>,
          %get3A_657 = vector.shape_cast %get3A_656 : vector<16xi32> to vector<16xi32>
          %add3A_658 = vector.broadcast %mul3A_654 : i32 to vector<16xi32>
          %add3A_659 = arith.addi %iota3A, %add3A_658 : vector<16xi32>
          %eq3A_660 = vector.broadcast %while3A_628 : i32 to vector<16xi32>
          %eq3A_661 = arith.cmpi eq, %add3A_659, %eq3A_660 : vector<16xi32>
          %jit3A_662 = arith.constant -1073741824 : i32
          %broadcast_in_dim3A_663 = vector.broadcast %jit3A_662 : i32 to vector<16xi32>
          %select_n3A_664 = arith.select %eq3A_661, %get3A_657, %broadcast_in_dim3A_663 : vector<16xi1>, vector<16xi32>
          %slice3A_665 = vector.extract_strided_slice %select_n3A_664 {offsets = [0], sizes = [1], strides = [1]} : vector<16xi32> to vector<1xi32>
          %squeeze3A_666 = vector.extract %slice3A_665[0] : i32 from vector<1xi32>
          %slice3A_667 = vector.extract_strided_slice %select_n3A_664 {offsets = [1], sizes = [1], strides = [1]} : vector<16xi32> to vector<1xi32>
          %squeeze3A_668 = vector.extract %slice3A_667[0] : i32 from vector<1xi32>
          %slice3A_669 = vector.extract_strided_slice %select_n3A_664 {offsets = [2], sizes = [1], strides = [1]} : vector<16xi32> to vector<1xi32>
          %squeeze3A_670 = vector.extract %slice3A_669[0] : i32 from vector<1xi32>
          %slice3A_671 = vector.extract_strided_slice %select_n3A_664 {offsets = [3], sizes = [1], strides = [1]} : vector<16xi32> to vector<1xi32>
          %squeeze3A_672 = vector.extract %slice3A_671[0] : i32 from vector<1xi32>
          %slice3A_673 = vector.extract_strided_slice %select_n3A_664 {offsets = [4], sizes = [1], strides = [1]} : vector<16xi32> to vector<1xi32>
          %squeeze3A_674 = vector.extract %slice3A_673[0] : i32 from vector<1xi32>
          %slice3A_675 = vector.extract_strided_slice %select_n3A_664 {offsets = [5], sizes = [1], strides = [1]} : vector<16xi32> to vector<1xi32>
          %squeeze3A_676 = vector.extract %slice3A_675[0] : i32 from vector<1xi32>
          %slice3A_677 = vector.extract_strided_slice %select_n3A_664 {offsets = [6], sizes = [1], strides = [1]} : vector<16xi32> to vector<1xi32>
          %squeeze3A_678 = vector.extract %slice3A_677[0] : i32 from vector<1xi32>
          %slice3A_679 = vector.extract_strided_slice %select_n3A_664 {offsets = [7], sizes = [1], strides = [1]} : vector<16xi32> to vector<1xi32>
          %squeeze3A_680 = vector.extract %slice3A_679[0] : i32 from vector<1xi32>
          %slice3A_681 = vector.extract_strided_slice %select_n3A_664 {offsets = [8], sizes = [1], strides = [1]} : vector<16xi32> to vector<1xi32>
          %squeeze3A_682 = vector.extract %slice3A_681[0] : i32 from vector<1xi32>
          %slice3A_683 = vector.extract_strided_slice %select_n3A_664 {offsets = [9], sizes = [1], strides = [1]} : vector<16xi32> to vector<1xi32>
          %squeeze3A_684 = vector.extract %slice3A_683[0] : i32 from vector<1xi32>
          %slice3A_685 = vector.extract_strided_slice %select_n3A_664 {offsets = [10], sizes = [1], strides = [1]} : vector<16xi32> to vector<1xi32>
          %squeeze3A_686 = vector.extract %slice3A_685[0] : i32 from vector<1xi32>
          %slice3A_687 = vector.extract_strided_slice %select_n3A_664 {offsets = [11], sizes = [1], strides = [1]} : vector<16xi32> to vector<1xi32>
          %squeeze3A_688 = vector.extract %slice3A_687[0] : i32 from vector<1xi32>
          %slice3A_689 = vector.extract_strided_slice %select_n3A_664 {offsets = [12], sizes = [1], strides = [1]} : vector<16xi32> to vector<1xi32>
          %squeeze3A_690 = vector.extract %slice3A_689[0] : i32 from vector<1xi32>
          %slice3A_691 = vector.extract_strided_slice %select_n3A_664 {offsets = [13], sizes = [1], strides = [1]} : vector<16xi32> to vector<1xi32>
          %squeeze3A_692 = vector.extract %slice3A_691[0] : i32 from vector<1xi32>
          %slice3A_693 = vector.extract_strided_slice %select_n3A_664 {offsets = [14], sizes = [1], strides = [1]} : vector<16xi32> to vector<1xi32>
          %squeeze3A_694 = vector.extract %slice3A_693[0] : i32 from vector<1xi32>
          %slice3A_695 = vector.extract_strided_slice %select_n3A_664 {offsets = [15], sizes = [1], strides = [1]} : vector<16xi32> to vector<1xi32>
          %squeeze3A_696 = vector.extract %slice3A_695[0] : i32 from vector<1xi32>
          %max3A_697 = arith.maxsi %squeeze3A_666, %squeeze3A_668 : i32
          %max3A_698 = arith.maxsi %squeeze3A_670, %squeeze3A_672 : i32
          %max3A_699 = arith.maxsi %squeeze3A_674, %squeeze3A_676 : i32
          %max3A_700 = arith.maxsi %squeeze3A_678, %squeeze3A_680 : i32
          %max3A_701 = arith.maxsi %squeeze3A_682, %squeeze3A_684 : i32
          %max3A_702 = arith.maxsi %squeeze3A_686, %squeeze3A_688 : i32
          %max3A_703 = arith.maxsi %squeeze3A_690, %squeeze3A_692 : i32
          %max3A_704 = arith.maxsi %squeeze3A_694, %squeeze3A_696 : i32
          %max3A_705 = arith.maxsi %max3A_697, %max3A_698 : i32
          %max3A_706 = arith.maxsi %max3A_699, %max3A_700 : i32
          %max3A_707 = arith.maxsi %max3A_701, %max3A_702 : i32
          %max3A_708 = arith.maxsi %max3A_703, %max3A_704 : i32
          %max3A_709 = arith.maxsi %max3A_705, %max3A_706 : i32
          %max3A_710 = arith.maxsi %max3A_707, %max3A_708 : i32
          %max3A_711 = arith.maxsi %max3A_709, %max3A_710 : i32
          %eq3A_712 = arith.cmpi eq, %max3A_711, %min3A_177 : i32
          %convert_element_type3A_713 = arith.extui %eq3A_712 : i1 to i32
          %cond3A_714 = arith.constant 0 : i32
          %cond3A_715 = arith.cmpi ne, %convert_element_type3A_713, %cond3A_714 : i32
          scf.if %cond3A_715 {
            %jit3A_716 = arith.constant 16 : i32
            %div3A_717 = arith.divsi %while3A_628, %jit3A_716 : i32
            %sign3A_718 = arith.constant 0 : i32
            %sign3A_719 = arith.cmpi sgt, %while3A_628, %sign3A_718 : i32
            %sign3A_720 = arith.extui %sign3A_719 : i1 to i32
            %sign3A_721 = arith.constant 0 : i32
            %sign3A_722 = arith.cmpi slt, %while3A_628, %sign3A_721 : i32
            %sign3A_723 = arith.extui %sign3A_722 : i1 to i32
            %sign3A_724 = arith.subi %sign3A_720, %sign3A_723 : i32
            %sign3A_725 = arith.constant 0 : i32
            %sign3A_726 = arith.cmpi sgt, %jit3A_716, %sign3A_725 : i32
            %sign3A_727 = arith.extui %sign3A_726 : i1 to i32
            %sign3A_728 = arith.constant 0 : i32
            %sign3A_729 = arith.cmpi slt, %jit3A_716, %sign3A_728 : i32
            %sign3A_730 = arith.extui %sign3A_729 : i1 to i32
            %sign3A_731 = arith.subi %sign3A_727, %sign3A_730 : i32
            %ne3A_732 = arith.cmpi ne, %sign3A_724, %sign3A_731 : i32
            %rem3A_733 = arith.remsi %while3A_628, %jit3A_716 : i32
            %ne3A_734 = arith.constant 0 : i32
            %ne3A_735 = arith.cmpi ne, %rem3A_733, %ne3A_734 : i32
            %and3A_736 = arith.andi %ne3A_732, %ne3A_735 : i1
            %sub3A_737 = arith.constant 1 : i32
            %sub3A_738 = arith.subi %div3A_717, %sub3A_737 : i32
            %select_n3A_739 = arith.select %and3A_736, %sub3A_738, %div3A_717 : i32
            %mul3A_740 = arith.constant 16 : i32
            %mul3A_741 = arith.muli %select_n3A_739, %mul3A_740 : i32
            %get3A_742 = arith.index_cast %mul3A_741 : i32 to index
            %get3A_743 = tpu.vector_load %arg11[%get3A_742] {strides = array<i32>} : memref<64xi32, #tpu.memory_space<vmem>>, vector<16xi32>,
            %get3A_744 = vector.shape_cast %get3A_743 : vector<16xi32> to vector<16xi32>
            %add3A_745 = vector.broadcast %mul3A_741 : i32 to vector<16xi32>
            %add3A_746 = arith.addi %iota3A, %add3A_745 : vector<16xi32>
            %eq3A_747 = vector.broadcast %while3A_628 : i32 to vector<16xi32>
            %eq3A_748 = arith.cmpi eq, %add3A_746, %eq3A_747 : vector<16xi32>
            %jit3A_749 = arith.constant -1073741824 : i32
            %broadcast_in_dim3A_750 = vector.broadcast %jit3A_749 : i32 to vector<16xi32>
            %select_n3A_751 = arith.select %eq3A_748, %get3A_744, %broadcast_in_dim3A_750 : vector<16xi1>, vector<16xi32>
            %slice3A_752 = vector.extract_strided_slice %select_n3A_751 {offsets = [0], sizes = [1], strides = [1]} : vector<16xi32> to vector<1xi32>
            %squeeze3A_753 = vector.extract %slice3A_752[0] : i32 from vector<1xi32>
            %slice3A_754 = vector.extract_strided_slice %select_n3A_751 {offsets = [1], sizes = [1], strides = [1]} : vector<16xi32> to vector<1xi32>
            %squeeze3A_755 = vector.extract %slice3A_754[0] : i32 from vector<1xi32>
            %slice3A_756 = vector.extract_strided_slice %select_n3A_751 {offsets = [2], sizes = [1], strides = [1]} : vector<16xi32> to vector<1xi32>
            %squeeze3A_757 = vector.extract %slice3A_756[0] : i32 from vector<1xi32>
            %slice3A_758 = vector.extract_strided_slice %select_n3A_751 {offsets = [3], sizes = [1], strides = [1]} : vector<16xi32> to vector<1xi32>
            %squeeze3A_759 = vector.extract %slice3A_758[0] : i32 from vector<1xi32>
            %slice3A_760 = vector.extract_strided_slice %select_n3A_751 {offsets = [4], sizes = [1], strides = [1]} : vector<16xi32> to vector<1xi32>
            %squeeze3A_761 = vector.extract %slice3A_760[0] : i32 from vector<1xi32>
            %slice3A_762 = vector.extract_strided_slice %select_n3A_751 {offsets = [5], sizes = [1], strides = [1]} : vector<16xi32> to vector<1xi32>
            %squeeze3A_763 = vector.extract %slice3A_762[0] : i32 from vector<1xi32>
            %slice3A_764 = vector.extract_strided_slice %select_n3A_751 {offsets = [6], sizes = [1], strides = [1]} : vector<16xi32> to vector<1xi32>
            %squeeze3A_765 = vector.extract %slice3A_764[0] : i32 from vector<1xi32>
            %slice3A_766 = vector.extract_strided_slice %select_n3A_751 {offsets = [7], sizes = [1], strides = [1]} : vector<16xi32> to vector<1xi32>
            %squeeze3A_767 = vector.extract %slice3A_766[0] : i32 from vector<1xi32>
            %slice3A_768 = vector.extract_strided_slice %select_n3A_751 {offsets = [8], sizes = [1], strides = [1]} : vector<16xi32> to vector<1xi32>
            %squeeze3A_769 = vector.extract %slice3A_768[0] : i32 from vector<1xi32>
            %slice3A_770 = vector.extract_strided_slice %select_n3A_751 {offsets = [9], sizes = [1], strides = [1]} : vector<16xi32> to vector<1xi32>
            %squeeze3A_771 = vector.extract %slice3A_770[0] : i32 from vector<1xi32>
            %slice3A_772 = vector.extract_strided_slice %select_n3A_751 {offsets = [10], sizes = [1], strides = [1]} : vector<16xi32> to vector<1xi32>
            %squeeze3A_773 = vector.extract %slice3A_772[0] : i32 from vector<1xi32>
            %slice3A_774 = vector.extract_strided_slice %select_n3A_751 {offsets = [11], sizes = [1], strides = [1]} : vector<16xi32> to vector<1xi32>
            %squeeze3A_775 = vector.extract %slice3A_774[0] : i32 from vector<1xi32>
            %slice3A_776 = vector.extract_strided_slice %select_n3A_751 {offsets = [12], sizes = [1], strides = [1]} : vector<16xi32> to vector<1xi32>
            %squeeze3A_777 = vector.extract %slice3A_776[0] : i32 from vector<1xi32>
            %slice3A_778 = vector.extract_strided_slice %select_n3A_751 {offsets = [13], sizes = [1], strides = [1]} : vector<16xi32> to vector<1xi32>
            %squeeze3A_779 = vector.extract %slice3A_778[0] : i32 from vector<1xi32>
            %slice3A_780 = vector.extract_strided_slice %select_n3A_751 {offsets = [14], sizes = [1], strides = [1]} : vector<16xi32> to vector<1xi32>
            %squeeze3A_781 = vector.extract %slice3A_780[0] : i32 from vector<1xi32>
            %slice3A_782 = vector.extract_strided_slice %select_n3A_751 {offsets = [15], sizes = [1], strides = [1]} : vector<16xi32> to vector<1xi32>
            %squeeze3A_783 = vector.extract %slice3A_782[0] : i32 from vector<1xi32>
            %max3A_784 = arith.maxsi %squeeze3A_753, %squeeze3A_755 : i32
            %max3A_785 = arith.maxsi %squeeze3A_757, %squeeze3A_759 : i32
            %max3A_786 = arith.maxsi %squeeze3A_761, %squeeze3A_763 : i32
            %max3A_787 = arith.maxsi %squeeze3A_765, %squeeze3A_767 : i32
            %max3A_788 = arith.maxsi %squeeze3A_769, %squeeze3A_771 : i32
            %max3A_789 = arith.maxsi %squeeze3A_773, %squeeze3A_775 : i32
            %max3A_790 = arith.maxsi %squeeze3A_777, %squeeze3A_779 : i32
            %max3A_791 = arith.maxsi %squeeze3A_781, %squeeze3A_783 : i32
            %max3A_792 = arith.maxsi %max3A_784, %max3A_785 : i32
            %max3A_793 = arith.maxsi %max3A_786, %max3A_787 : i32
            %max3A_794 = arith.maxsi %max3A_788, %max3A_789 : i32
            %max3A_795 = arith.maxsi %max3A_790, %max3A_791 : i32
            %max3A_796 = arith.maxsi %max3A_792, %max3A_793 : i32
            %max3A_797 = arith.maxsi %max3A_794, %max3A_795 : i32
            %max3A_798 = arith.maxsi %max3A_796, %max3A_797 : i32
            %jit3A_799 = arith.constant 16 : i32
            %div3A_800 = arith.divsi %max3A_798, %jit3A_799 : i32
            %sign3A_801 = arith.constant 0 : i32
            %sign3A_802 = arith.cmpi sgt, %max3A_798, %sign3A_801 : i32
            %sign3A_803 = arith.extui %sign3A_802 : i1 to i32
            %sign3A_804 = arith.constant 0 : i32
            %sign3A_805 = arith.cmpi slt, %max3A_798, %sign3A_804 : i32
            %sign3A_806 = arith.extui %sign3A_805 : i1 to i32
            %sign3A_807 = arith.subi %sign3A_803, %sign3A_806 : i32
            %sign3A_808 = arith.constant 0 : i32
            %sign3A_809 = arith.cmpi sgt, %jit3A_799, %sign3A_808 : i32
            %sign3A_810 = arith.extui %sign3A_809 : i1 to i32
            %sign3A_811 = arith.constant 0 : i32
            %sign3A_812 = arith.cmpi slt, %jit3A_799, %sign3A_811 : i32
            %sign3A_813 = arith.extui %sign3A_812 : i1 to i32
            %sign3A_814 = arith.subi %sign3A_810, %sign3A_813 : i32
            %ne3A_815 = arith.cmpi ne, %sign3A_807, %sign3A_814 : i32
            %rem3A_816 = arith.remsi %max3A_798, %jit3A_799 : i32
            %ne3A_817 = arith.constant 0 : i32
            %ne3A_818 = arith.cmpi ne, %rem3A_816, %ne3A_817 : i32
            %and3A_819 = arith.andi %ne3A_815, %ne3A_818 : i1
            %sub3A_820 = arith.constant 1 : i32
            %sub3A_821 = arith.subi %div3A_800, %sub3A_820 : i32
            %select_n3A_822 = arith.select %and3A_819, %sub3A_821, %div3A_800 : i32
            %mul3A_823 = arith.constant 16 : i32
            %mul3A_824 = arith.muli %select_n3A_822, %mul3A_823 : i32
            %get3A_825 = arith.index_cast %mul3A_824 : i32 to index
            %get3A_826 = tpu.vector_load %arg9[%get3A_825] {strides = array<i32>} : memref<400xf32, #tpu.memory_space<vmem>>, vector<16xf32>,
            %get3A_827 = vector.shape_cast %get3A_826 : vector<16xf32> to vector<16xf32>
            %add3A_828 = vector.broadcast %mul3A_824 : i32 to vector<16xi32>
            %add3A_829 = arith.addi %iota3A, %add3A_828 : vector<16xi32>
            %eq3A_830 = vector.broadcast %max3A_798 : i32 to vector<16xi32>
            %eq3A_831 = arith.cmpi eq, %add3A_829, %eq3A_830 : vector<16xi32>
            %jit3A_832 = arith.constant -1.000000e+00 : f32
            %broadcast_in_dim3A_833 = vector.broadcast %jit3A_832 : f32 to vector<16xf32>
            %select_n3A_834 = arith.select %eq3A_831, %broadcast_in_dim3A_833, %get3A_827 : vector<16xi1>, vector<16xf32>
            %swap3A_835 = arith.index_cast %mul3A_824 : i32 to index
            %swap3A_836 = tpu.vector_load %arg9[%swap3A_835] {strides = array<i32>} : memref<400xf32, #tpu.memory_space<vmem>>, vector<16xf32>,
            %swap3A_837 = vector.shape_cast %swap3A_836 : vector<16xf32> to vector<16xf32>
            %swap3A_838 = vector.shape_cast %select_n3A_834 : vector<16xf32> to vector<16xf32>
            tpu.vector_store %arg9[%swap3A_835], %swap3A_838 {strides = array<i32>} : memref<400xf32, #tpu.memory_space<vmem>>, vector<16xf32>,
          } else {
          }
        }
        %broadcast_in_dim3A_190 = arith.constant 1073741824 : i32
        %broadcast_in_dim3A_191 = vector.broadcast %broadcast_in_dim3A_190 : i32 to vector<16xi32>
        %scan3A_192 = arith.constant 0 : i32
        %scan3A_193 = arith.constant 25 : i32
        %scan3A_194 = arith.addi %scan3A_192, %scan3A_193 : i32
        %scan3A_195 = arith.constant 1 : i32
        %scan3A_196 = scf.for %scan3A_628 = %scan3A_192 to %scan3A_194 step %scan3A_195 iter_args(%scan3A_629 = %broadcast_in_dim3A_191) -> (vector<16xi32>)  : i32 {
          %mul3A_630 = arith.constant 16 : i32
          %mul3A_631 = arith.muli %scan3A_628, %mul3A_630 : i32
          %get3A_632 = arith.index_cast %mul3A_631 : i32 to index
          %get3A_633 = tpu.vector_load %arg9[%get3A_632] {strides = array<i32>} : memref<400xf32, #tpu.memory_space<vmem>>, vector<16xf32>,
          %get3A_634 = vector.shape_cast %get3A_633 : vector<16xf32> to vector<16xf32>
          %eq3A_635 = vector.broadcast %max3A_66 : f32 to vector<16xf32>
          %eq3A_636 = arith.cmpf oeq, %get3A_634, %eq3A_635 : vector<16xf32>
          %mul3A_637 = arith.constant 16 : i32
          %mul3A_638 = arith.muli %scan3A_628, %mul3A_637 : i32
          %add3A_639 = vector.broadcast %mul3A_638 : i32 to vector<16xi32>
          %add3A_640 = arith.addi %iota3A, %add3A_639 : vector<16xi32>
          %jit3A_641 = arith.constant 1073741824 : i32
          %broadcast_in_dim3A_642 = vector.broadcast %jit3A_641 : i32 to vector<16xi32>
          %select_n3A_643 = arith.select %eq3A_636, %add3A_640, %broadcast_in_dim3A_642 : vector<16xi1>, vector<16xi32>
          %min3A_644 = arith.minsi %scan3A_629, %select_n3A_643 : vector<16xi32>
          scf.yield %min3A_644 : vector<16xi32>
        }
        %scan3A_197 = arith.constant 25 : i32
        %slice3A_198 = vector.extract_strided_slice %scan3A_196 {offsets = [0], sizes = [1], strides = [1]} : vector<16xi32> to vector<1xi32>
        %squeeze3A_199 = vector.extract %slice3A_198[0] : i32 from vector<1xi32>
        %slice3A_200 = vector.extract_strided_slice %scan3A_196 {offsets = [1], sizes = [1], strides = [1]} : vector<16xi32> to vector<1xi32>
        %squeeze3A_201 = vector.extract %slice3A_200[0] : i32 from vector<1xi32>
        %slice3A_202 = vector.extract_strided_slice %scan3A_196 {offsets = [2], sizes = [1], strides = [1]} : vector<16xi32> to vector<1xi32>
        %squeeze3A_203 = vector.extract %slice3A_202[0] : i32 from vector<1xi32>
        %slice3A_204 = vector.extract_strided_slice %scan3A_196 {offsets = [3], sizes = [1], strides = [1]} : vector<16xi32> to vector<1xi32>
        %squeeze3A_205 = vector.extract %slice3A_204[0] : i32 from vector<1xi32>
        %slice3A_206 = vector.extract_strided_slice %scan3A_196 {offsets = [4], sizes = [1], strides = [1]} : vector<16xi32> to vector<1xi32>
        %squeeze3A_207 = vector.extract %slice3A_206[0] : i32 from vector<1xi32>
        %slice3A_208 = vector.extract_strided_slice %scan3A_196 {offsets = [5], sizes = [1], strides = [1]} : vector<16xi32> to vector<1xi32>
        %squeeze3A_209 = vector.extract %slice3A_208[0] : i32 from vector<1xi32>
        %slice3A_210 = vector.extract_strided_slice %scan3A_196 {offsets = [6], sizes = [1], strides = [1]} : vector<16xi32> to vector<1xi32>
        %squeeze3A_211 = vector.extract %slice3A_210[0] : i32 from vector<1xi32>
        %slice3A_212 = vector.extract_strided_slice %scan3A_196 {offsets = [7], sizes = [1], strides = [1]} : vector<16xi32> to vector<1xi32>
        %squeeze3A_213 = vector.extract %slice3A_212[0] : i32 from vector<1xi32>
        %slice3A_214 = vector.extract_strided_slice %scan3A_196 {offsets = [8], sizes = [1], strides = [1]} : vector<16xi32> to vector<1xi32>
        %squeeze3A_215 = vector.extract %slice3A_214[0] : i32 from vector<1xi32>
        %slice3A_216 = vector.extract_strided_slice %scan3A_196 {offsets = [9], sizes = [1], strides = [1]} : vector<16xi32> to vector<1xi32>
        %squeeze3A_217 = vector.extract %slice3A_216[0] : i32 from vector<1xi32>
        %slice3A_218 = vector.extract_strided_slice %scan3A_196 {offsets = [10], sizes = [1], strides = [1]} : vector<16xi32> to vector<1xi32>
        %squeeze3A_219 = vector.extract %slice3A_218[0] : i32 from vector<1xi32>
        %slice3A_220 = vector.extract_strided_slice %scan3A_196 {offsets = [11], sizes = [1], strides = [1]} : vector<16xi32> to vector<1xi32>
        %squeeze3A_221 = vector.extract %slice3A_220[0] : i32 from vector<1xi32>
        %slice3A_222 = vector.extract_strided_slice %scan3A_196 {offsets = [12], sizes = [1], strides = [1]} : vector<16xi32> to vector<1xi32>
        %squeeze3A_223 = vector.extract %slice3A_222[0] : i32 from vector<1xi32>
        %slice3A_224 = vector.extract_strided_slice %scan3A_196 {offsets = [13], sizes = [1], strides = [1]} : vector<16xi32> to vector<1xi32>
        %squeeze3A_225 = vector.extract %slice3A_224[0] : i32 from vector<1xi32>
        %slice3A_226 = vector.extract_strided_slice %scan3A_196 {offsets = [14], sizes = [1], strides = [1]} : vector<16xi32> to vector<1xi32>
        %squeeze3A_227 = vector.extract %slice3A_226[0] : i32 from vector<1xi32>
        %slice3A_228 = vector.extract_strided_slice %scan3A_196 {offsets = [15], sizes = [1], strides = [1]} : vector<16xi32> to vector<1xi32>
        %squeeze3A_229 = vector.extract %slice3A_228[0] : i32 from vector<1xi32>
        %min3A_230 = arith.minsi %squeeze3A_199, %squeeze3A_201 : i32
        %min3A_231 = arith.minsi %squeeze3A_203, %squeeze3A_205 : i32
        %min3A_232 = arith.minsi %squeeze3A_207, %squeeze3A_209 : i32
        %min3A_233 = arith.minsi %squeeze3A_211, %squeeze3A_213 : i32
        %min3A_234 = arith.minsi %squeeze3A_215, %squeeze3A_217 : i32
        %min3A_235 = arith.minsi %squeeze3A_219, %squeeze3A_221 : i32
        %min3A_236 = arith.minsi %squeeze3A_223, %squeeze3A_225 : i32
        %min3A_237 = arith.minsi %squeeze3A_227, %squeeze3A_229 : i32
        %min3A_238 = arith.minsi %min3A_230, %min3A_231 : i32
        %min3A_239 = arith.minsi %min3A_232, %min3A_233 : i32
        %min3A_240 = arith.minsi %min3A_234, %min3A_235 : i32
        %min3A_241 = arith.minsi %min3A_236, %min3A_237 : i32
        %min3A_242 = arith.minsi %min3A_238, %min3A_239 : i32
        %min3A_243 = arith.minsi %min3A_240, %min3A_241 : i32
        %min3A_244 = arith.minsi %min3A_242, %min3A_243 : i32
        %jit3A_245 = arith.constant 16 : i32
        %div3A = arith.divsi %min3A_244, %jit3A_245 : i32
        %sign3A = arith.constant 0 : i32
        %sign3A_246 = arith.cmpi sgt, %min3A_244, %sign3A : i32
        %sign3A_247 = arith.extui %sign3A_246 : i1 to i32
        %sign3A_248 = arith.constant 0 : i32
        %sign3A_249 = arith.cmpi slt, %min3A_244, %sign3A_248 : i32
        %sign3A_250 = arith.extui %sign3A_249 : i1 to i32
        %sign3A_251 = arith.subi %sign3A_247, %sign3A_250 : i32
        %sign3A_252 = arith.constant 0 : i32
        %sign3A_253 = arith.cmpi sgt, %jit3A_245, %sign3A_252 : i32
        %sign3A_254 = arith.extui %sign3A_253 : i1 to i32
        %sign3A_255 = arith.constant 0 : i32
        %sign3A_256 = arith.cmpi slt, %jit3A_245, %sign3A_255 : i32
        %sign3A_257 = arith.extui %sign3A_256 : i1 to i32
        %sign3A_258 = arith.subi %sign3A_254, %sign3A_257 : i32
        %ne3A = arith.cmpi ne, %sign3A_251, %sign3A_258 : i32
        %rem3A = arith.remsi %min3A_244, %jit3A_245 : i32
        %ne3A_259 = arith.constant 0 : i32
        %ne3A_260 = arith.cmpi ne, %rem3A, %ne3A_259 : i32
        %and3A = arith.andi %ne3A, %ne3A_260 : i1
        %sub3A = arith.constant 1 : i32
        %sub3A_261 = arith.subi %div3A, %sub3A : i32
        %select_n3A_262 = arith.select %and3A, %sub3A_261, %div3A : i32
        %mul3A_263 = arith.constant 16 : i32
        %mul3A_264 = arith.muli %select_n3A_262, %mul3A_263 : i32
        %get3A_265 = arith.index_cast %mul3A_264 : i32 to index
        %get3A_266 = tpu.vector_load %arg9[%get3A_265] {strides = array<i32>} : memref<400xf32, #tpu.memory_space<vmem>>, vector<16xf32>,
        %get3A_267 = vector.shape_cast %get3A_266 : vector<16xf32> to vector<16xf32>
        %add3A_268 = vector.broadcast %mul3A_264 : i32 to vector<16xi32>
        %add3A_269 = arith.addi %iota3A, %add3A_268 : vector<16xi32>
        %eq3A_270 = vector.broadcast %min3A_244 : i32 to vector<16xi32>
        %eq3A_271 = arith.cmpi eq, %add3A_269, %eq3A_270 : vector<16xi32>
        %jit3A_272 = arith.constant -1.000000e+00 : f32
        %broadcast_in_dim3A_273 = vector.broadcast %jit3A_272 : f32 to vector<16xf32>
        %select_n3A_274 = arith.select %eq3A_271, %broadcast_in_dim3A_273, %get3A_267 : vector<16xi1>, vector<16xf32>
        %swap3A = arith.index_cast %mul3A_264 : i32 to index
        %swap3A_275 = tpu.vector_load %arg9[%swap3A] {strides = array<i32>} : memref<400xf32, #tpu.memory_space<vmem>>, vector<16xf32>,
        %swap3A_276 = vector.shape_cast %swap3A_275 : vector<16xf32> to vector<16xf32>
        %swap3A_277 = vector.shape_cast %select_n3A_274 : vector<16xf32> to vector<16xf32>
        tpu.vector_store %arg9[%swap3A], %swap3A_277 {strides = array<i32>} : memref<400xf32, #tpu.memory_space<vmem>>, vector<16xf32>,
        %broadcast_in_dim3A_278 = arith.constant -1.000000e+00 : f32
        %broadcast_in_dim3A_279 = vector.broadcast %broadcast_in_dim3A_278 : f32 to vector<16xf32>
        %scan3A_280 = arith.constant 0 : i32
        %scan3A_281 = arith.constant 25 : i32
        %scan3A_282 = arith.addi %scan3A_280, %scan3A_281 : i32
        %scan3A_283 = arith.constant 1 : i32
        %scan3A_284 = scf.for %scan3A_628 = %scan3A_280 to %scan3A_282 step %scan3A_283 iter_args(%scan3A_629 = %broadcast_in_dim3A_279) -> (vector<16xf32>)  : i32 {
          %mul3A_630 = arith.constant 16 : i32
          %mul3A_631 = arith.muli %scan3A_628, %mul3A_630 : i32
          %get3A_632 = arith.index_cast %mul3A_631 : i32 to index
          %get3A_633 = tpu.vector_load %arg9[%get3A_632] {strides = array<i32>} : memref<400xf32, #tpu.memory_space<vmem>>, vector<16xf32>,
          %get3A_634 = vector.shape_cast %get3A_633 : vector<16xf32> to vector<16xf32>
          %max3A_635 = arith.maximumf %scan3A_629, %get3A_634 : vector<16xf32>
          scf.yield %max3A_635 : vector<16xf32>
        }
        %scan3A_285 = arith.constant 25 : i32
        %slice3A_286 = vector.extract_strided_slice %scan3A_284 {offsets = [0], sizes = [1], strides = [1]} : vector<16xf32> to vector<1xf32>
        %squeeze3A_287 = vector.extract %slice3A_286[0] : f32 from vector<1xf32>
        %slice3A_288 = vector.extract_strided_slice %scan3A_284 {offsets = [1], sizes = [1], strides = [1]} : vector<16xf32> to vector<1xf32>
        %squeeze3A_289 = vector.extract %slice3A_288[0] : f32 from vector<1xf32>
        %slice3A_290 = vector.extract_strided_slice %scan3A_284 {offsets = [2], sizes = [1], strides = [1]} : vector<16xf32> to vector<1xf32>
        %squeeze3A_291 = vector.extract %slice3A_290[0] : f32 from vector<1xf32>
        %slice3A_292 = vector.extract_strided_slice %scan3A_284 {offsets = [3], sizes = [1], strides = [1]} : vector<16xf32> to vector<1xf32>
        %squeeze3A_293 = vector.extract %slice3A_292[0] : f32 from vector<1xf32>
        %slice3A_294 = vector.extract_strided_slice %scan3A_284 {offsets = [4], sizes = [1], strides = [1]} : vector<16xf32> to vector<1xf32>
        %squeeze3A_295 = vector.extract %slice3A_294[0] : f32 from vector<1xf32>
        %slice3A_296 = vector.extract_strided_slice %scan3A_284 {offsets = [5], sizes = [1], strides = [1]} : vector<16xf32> to vector<1xf32>
        %squeeze3A_297 = vector.extract %slice3A_296[0] : f32 from vector<1xf32>
        %slice3A_298 = vector.extract_strided_slice %scan3A_284 {offsets = [6], sizes = [1], strides = [1]} : vector<16xf32> to vector<1xf32>
        %squeeze3A_299 = vector.extract %slice3A_298[0] : f32 from vector<1xf32>
        %slice3A_300 = vector.extract_strided_slice %scan3A_284 {offsets = [7], sizes = [1], strides = [1]} : vector<16xf32> to vector<1xf32>
        %squeeze3A_301 = vector.extract %slice3A_300[0] : f32 from vector<1xf32>
        %slice3A_302 = vector.extract_strided_slice %scan3A_284 {offsets = [8], sizes = [1], strides = [1]} : vector<16xf32> to vector<1xf32>
        %squeeze3A_303 = vector.extract %slice3A_302[0] : f32 from vector<1xf32>
        %slice3A_304 = vector.extract_strided_slice %scan3A_284 {offsets = [9], sizes = [1], strides = [1]} : vector<16xf32> to vector<1xf32>
        %squeeze3A_305 = vector.extract %slice3A_304[0] : f32 from vector<1xf32>
        %slice3A_306 = vector.extract_strided_slice %scan3A_284 {offsets = [10], sizes = [1], strides = [1]} : vector<16xf32> to vector<1xf32>
        %squeeze3A_307 = vector.extract %slice3A_306[0] : f32 from vector<1xf32>
        %slice3A_308 = vector.extract_strided_slice %scan3A_284 {offsets = [11], sizes = [1], strides = [1]} : vector<16xf32> to vector<1xf32>
        %squeeze3A_309 = vector.extract %slice3A_308[0] : f32 from vector<1xf32>
        %slice3A_310 = vector.extract_strided_slice %scan3A_284 {offsets = [12], sizes = [1], strides = [1]} : vector<16xf32> to vector<1xf32>
        %squeeze3A_311 = vector.extract %slice3A_310[0] : f32 from vector<1xf32>
        %slice3A_312 = vector.extract_strided_slice %scan3A_284 {offsets = [13], sizes = [1], strides = [1]} : vector<16xf32> to vector<1xf32>
        %squeeze3A_313 = vector.extract %slice3A_312[0] : f32 from vector<1xf32>
        %slice3A_314 = vector.extract_strided_slice %scan3A_284 {offsets = [14], sizes = [1], strides = [1]} : vector<16xf32> to vector<1xf32>
        %squeeze3A_315 = vector.extract %slice3A_314[0] : f32 from vector<1xf32>
        %slice3A_316 = vector.extract_strided_slice %scan3A_284 {offsets = [15], sizes = [1], strides = [1]} : vector<16xf32> to vector<1xf32>
        %squeeze3A_317 = vector.extract %slice3A_316[0] : f32 from vector<1xf32>
        %max3A_318 = arith.maximumf %squeeze3A_287, %squeeze3A_289 : f32
        %max3A_319 = arith.maximumf %squeeze3A_291, %squeeze3A_293 : f32
        %max3A_320 = arith.maximumf %squeeze3A_295, %squeeze3A_297 : f32
        %max3A_321 = arith.maximumf %squeeze3A_299, %squeeze3A_301 : f32
        %max3A_322 = arith.maximumf %squeeze3A_303, %squeeze3A_305 : f32
        %max3A_323 = arith.maximumf %squeeze3A_307, %squeeze3A_309 : f32
        %max3A_324 = arith.maximumf %squeeze3A_311, %squeeze3A_313 : f32
        %max3A_325 = arith.maximumf %squeeze3A_315, %squeeze3A_317 : f32
        %max3A_326 = arith.maximumf %max3A_318, %max3A_319 : f32
        %max3A_327 = arith.maximumf %max3A_320, %max3A_321 : f32
        %max3A_328 = arith.maximumf %max3A_322, %max3A_323 : f32
        %max3A_329 = arith.maximumf %max3A_324, %max3A_325 : f32
        %max3A_330 = arith.maximumf %max3A_326, %max3A_327 : f32
        %max3A_331 = arith.maximumf %max3A_328, %max3A_329 : f32
        %max3A_332 = arith.maximumf %max3A_330, %max3A_331 : f32
        %jit3A_333 = arith.constant 16 : i32
        %div3A_334 = arith.divsi %min3A_177, %jit3A_333 : i32
        %sign3A_335 = arith.constant 0 : i32
        %sign3A_336 = arith.cmpi sgt, %min3A_177, %sign3A_335 : i32
        %sign3A_337 = arith.extui %sign3A_336 : i1 to i32
        %sign3A_338 = arith.constant 0 : i32
        %sign3A_339 = arith.cmpi slt, %min3A_177, %sign3A_338 : i32
        %sign3A_340 = arith.extui %sign3A_339 : i1 to i32
        %sign3A_341 = arith.subi %sign3A_337, %sign3A_340 : i32
        %sign3A_342 = arith.constant 0 : i32
        %sign3A_343 = arith.cmpi sgt, %jit3A_333, %sign3A_342 : i32
        %sign3A_344 = arith.extui %sign3A_343 : i1 to i32
        %sign3A_345 = arith.constant 0 : i32
        %sign3A_346 = arith.cmpi slt, %jit3A_333, %sign3A_345 : i32
        %sign3A_347 = arith.extui %sign3A_346 : i1 to i32
        %sign3A_348 = arith.subi %sign3A_344, %sign3A_347 : i32
        %ne3A_349 = arith.cmpi ne, %sign3A_341, %sign3A_348 : i32
        %rem3A_350 = arith.remsi %min3A_177, %jit3A_333 : i32
        %ne3A_351 = arith.constant 0 : i32
        %ne3A_352 = arith.cmpi ne, %rem3A_350, %ne3A_351 : i32
        %and3A_353 = arith.andi %ne3A_349, %ne3A_352 : i1
        %sub3A_354 = arith.constant 1 : i32
        %sub3A_355 = arith.subi %div3A_334, %sub3A_354 : i32
        %select_n3A_356 = arith.select %and3A_353, %sub3A_355, %div3A_334 : i32
        %mul3A_357 = arith.constant 16 : i32
        %mul3A_358 = arith.muli %select_n3A_356, %mul3A_357 : i32
        %get3A_359 = arith.index_cast %mul3A_358 : i32 to index
        %get3A_360 = tpu.vector_load %arg7[%get3A_359] {strides = array<i32>} : memref<1024xf32, #tpu.memory_space<vmem>>, vector<16xf32>,
        %get3A_361 = vector.shape_cast %get3A_360 : vector<16xf32> to vector<16xf32>
        %add3A_362 = vector.broadcast %mul3A_358 : i32 to vector<16xi32>
        %add3A_363 = arith.addi %iota3A, %add3A_362 : vector<16xi32>
        %eq3A_364 = vector.broadcast %min3A_177 : i32 to vector<16xi32>
        %eq3A_365 = arith.cmpi eq, %add3A_363, %eq3A_364 : vector<16xi32>
        %broadcast_in_dim3A_366 = vector.broadcast %max3A_332 : f32 to vector<16xf32>
        %select_n3A_367 = arith.select %eq3A_365, %broadcast_in_dim3A_366, %get3A_361 : vector<16xi1>, vector<16xf32>
        %swap3A_368 = arith.index_cast %mul3A_358 : i32 to index
        %swap3A_369 = tpu.vector_load %arg7[%swap3A_368] {strides = array<i32>} : memref<1024xf32, #tpu.memory_space<vmem>>, vector<16xf32>,
        %swap3A_370 = vector.shape_cast %swap3A_369 : vector<16xf32> to vector<16xf32>
        %swap3A_371 = vector.shape_cast %select_n3A_367 : vector<16xf32> to vector<16xf32>
        tpu.vector_store %arg7[%swap3A_368], %swap3A_371 {strides = array<i32>} : memref<1024xf32, #tpu.memory_space<vmem>>, vector<16xf32>,
        %jit3A_372 = arith.constant 16 : i32
        %div3A_373 = arith.divsi %min3A_177, %jit3A_372 : i32
        %sign3A_374 = arith.constant 0 : i32
        %sign3A_375 = arith.cmpi sgt, %min3A_177, %sign3A_374 : i32
        %sign3A_376 = arith.extui %sign3A_375 : i1 to i32
        %sign3A_377 = arith.constant 0 : i32
        %sign3A_378 = arith.cmpi slt, %min3A_177, %sign3A_377 : i32
        %sign3A_379 = arith.extui %sign3A_378 : i1 to i32
        %sign3A_380 = arith.subi %sign3A_376, %sign3A_379 : i32
        %sign3A_381 = arith.constant 0 : i32
        %sign3A_382 = arith.cmpi sgt, %jit3A_372, %sign3A_381 : i32
        %sign3A_383 = arith.extui %sign3A_382 : i1 to i32
        %sign3A_384 = arith.constant 0 : i32
        %sign3A_385 = arith.cmpi slt, %jit3A_372, %sign3A_384 : i32
        %sign3A_386 = arith.extui %sign3A_385 : i1 to i32
        %sign3A_387 = arith.subi %sign3A_383, %sign3A_386 : i32
        %ne3A_388 = arith.cmpi ne, %sign3A_380, %sign3A_387 : i32
        %rem3A_389 = arith.remsi %min3A_177, %jit3A_372 : i32
        %ne3A_390 = arith.constant 0 : i32
        %ne3A_391 = arith.cmpi ne, %rem3A_389, %ne3A_390 : i32
        %and3A_392 = arith.andi %ne3A_388, %ne3A_391 : i1
        %sub3A_393 = arith.constant 1 : i32
        %sub3A_394 = arith.subi %div3A_373, %sub3A_393 : i32
        %select_n3A_395 = arith.select %and3A_392, %sub3A_394, %div3A_373 : i32
        %mul3A_396 = arith.constant 16 : i32
        %mul3A_397 = arith.muli %select_n3A_395, %mul3A_396 : i32
        %get3A_398 = arith.index_cast %mul3A_397 : i32 to index
        %get3A_399 = tpu.vector_load %arg7[%get3A_398] {strides = array<i32>} : memref<1024xf32, #tpu.memory_space<vmem>>, vector<16xf32>,
        %get3A_400 = vector.shape_cast %get3A_399 : vector<16xf32> to vector<16xf32>
        %jit3A_401 = arith.constant 16 : i32
        %div3A_402 = arith.divsi %min3A_177, %jit3A_401 : i32
        %sign3A_403 = arith.constant 0 : i32
        %sign3A_404 = arith.cmpi sgt, %min3A_177, %sign3A_403 : i32
        %sign3A_405 = arith.extui %sign3A_404 : i1 to i32
        %sign3A_406 = arith.constant 0 : i32
        %sign3A_407 = arith.cmpi slt, %min3A_177, %sign3A_406 : i32
        %sign3A_408 = arith.extui %sign3A_407 : i1 to i32
        %sign3A_409 = arith.subi %sign3A_405, %sign3A_408 : i32
        %sign3A_410 = arith.constant 0 : i32
        %sign3A_411 = arith.cmpi sgt, %jit3A_401, %sign3A_410 : i32
        %sign3A_412 = arith.extui %sign3A_411 : i1 to i32
        %sign3A_413 = arith.constant 0 : i32
        %sign3A_414 = arith.cmpi slt, %jit3A_401, %sign3A_413 : i32
        %sign3A_415 = arith.extui %sign3A_414 : i1 to i32
        %sign3A_416 = arith.subi %sign3A_412, %sign3A_415 : i32
        %ne3A_417 = arith.cmpi ne, %sign3A_409, %sign3A_416 : i32
        %rem3A_418 = arith.remsi %min3A_177, %jit3A_401 : i32
        %ne3A_419 = arith.constant 0 : i32
        %ne3A_420 = arith.cmpi ne, %rem3A_418, %ne3A_419 : i32
        %and3A_421 = arith.andi %ne3A_417, %ne3A_420 : i1
        %sub3A_422 = arith.constant 1 : i32
        %sub3A_423 = arith.subi %div3A_402, %sub3A_422 : i32
        %select_n3A_424 = arith.select %and3A_421, %sub3A_423, %div3A_402 : i32
        %slice3A_425 = vector.extract_strided_slice %get3A_400 {offsets = [0], sizes = [1], strides = [1]} : vector<16xf32> to vector<1xf32>
        %squeeze3A_426 = vector.extract %slice3A_425[0] : f32 from vector<1xf32>
        %slice3A_427 = vector.extract_strided_slice %get3A_400 {offsets = [1], sizes = [1], strides = [1]} : vector<16xf32> to vector<1xf32>
        %squeeze3A_428 = vector.extract %slice3A_427[0] : f32 from vector<1xf32>
        %slice3A_429 = vector.extract_strided_slice %get3A_400 {offsets = [2], sizes = [1], strides = [1]} : vector<16xf32> to vector<1xf32>
        %squeeze3A_430 = vector.extract %slice3A_429[0] : f32 from vector<1xf32>
        %slice3A_431 = vector.extract_strided_slice %get3A_400 {offsets = [3], sizes = [1], strides = [1]} : vector<16xf32> to vector<1xf32>
        %squeeze3A_432 = vector.extract %slice3A_431[0] : f32 from vector<1xf32>
        %slice3A_433 = vector.extract_strided_slice %get3A_400 {offsets = [4], sizes = [1], strides = [1]} : vector<16xf32> to vector<1xf32>
        %squeeze3A_434 = vector.extract %slice3A_433[0] : f32 from vector<1xf32>
        %slice3A_435 = vector.extract_strided_slice %get3A_400 {offsets = [5], sizes = [1], strides = [1]} : vector<16xf32> to vector<1xf32>
        %squeeze3A_436 = vector.extract %slice3A_435[0] : f32 from vector<1xf32>
        %slice3A_437 = vector.extract_strided_slice %get3A_400 {offsets = [6], sizes = [1], strides = [1]} : vector<16xf32> to vector<1xf32>
        %squeeze3A_438 = vector.extract %slice3A_437[0] : f32 from vector<1xf32>
        %slice3A_439 = vector.extract_strided_slice %get3A_400 {offsets = [7], sizes = [1], strides = [1]} : vector<16xf32> to vector<1xf32>
        %squeeze3A_440 = vector.extract %slice3A_439[0] : f32 from vector<1xf32>
        %slice3A_441 = vector.extract_strided_slice %get3A_400 {offsets = [8], sizes = [1], strides = [1]} : vector<16xf32> to vector<1xf32>
        %squeeze3A_442 = vector.extract %slice3A_441[0] : f32 from vector<1xf32>
        %slice3A_443 = vector.extract_strided_slice %get3A_400 {offsets = [9], sizes = [1], strides = [1]} : vector<16xf32> to vector<1xf32>
        %squeeze3A_444 = vector.extract %slice3A_443[0] : f32 from vector<1xf32>
        %slice3A_445 = vector.extract_strided_slice %get3A_400 {offsets = [10], sizes = [1], strides = [1]} : vector<16xf32> to vector<1xf32>
        %squeeze3A_446 = vector.extract %slice3A_445[0] : f32 from vector<1xf32>
        %slice3A_447 = vector.extract_strided_slice %get3A_400 {offsets = [11], sizes = [1], strides = [1]} : vector<16xf32> to vector<1xf32>
        %squeeze3A_448 = vector.extract %slice3A_447[0] : f32 from vector<1xf32>
        %slice3A_449 = vector.extract_strided_slice %get3A_400 {offsets = [12], sizes = [1], strides = [1]} : vector<16xf32> to vector<1xf32>
        %squeeze3A_450 = vector.extract %slice3A_449[0] : f32 from vector<1xf32>
        %slice3A_451 = vector.extract_strided_slice %get3A_400 {offsets = [13], sizes = [1], strides = [1]} : vector<16xf32> to vector<1xf32>
        %squeeze3A_452 = vector.extract %slice3A_451[0] : f32 from vector<1xf32>
        %slice3A_453 = vector.extract_strided_slice %get3A_400 {offsets = [14], sizes = [1], strides = [1]} : vector<16xf32> to vector<1xf32>
        %squeeze3A_454 = vector.extract %slice3A_453[0] : f32 from vector<1xf32>
        %slice3A_455 = vector.extract_strided_slice %get3A_400 {offsets = [15], sizes = [1], strides = [1]} : vector<16xf32> to vector<1xf32>
        %squeeze3A_456 = vector.extract %slice3A_455[0] : f32 from vector<1xf32>
        %max3A_457 = arith.maximumf %squeeze3A_426, %squeeze3A_428 : f32
        %max3A_458 = arith.maximumf %squeeze3A_430, %squeeze3A_432 : f32
        %max3A_459 = arith.maximumf %squeeze3A_434, %squeeze3A_436 : f32
        %max3A_460 = arith.maximumf %squeeze3A_438, %squeeze3A_440 : f32
        %max3A_461 = arith.maximumf %squeeze3A_442, %squeeze3A_444 : f32
        %max3A_462 = arith.maximumf %squeeze3A_446, %squeeze3A_448 : f32
        %max3A_463 = arith.maximumf %squeeze3A_450, %squeeze3A_452 : f32
        %max3A_464 = arith.maximumf %squeeze3A_454, %squeeze3A_456 : f32
        %max3A_465 = arith.maximumf %max3A_457, %max3A_458 : f32
        %max3A_466 = arith.maximumf %max3A_459, %max3A_460 : f32
        %max3A_467 = arith.maximumf %max3A_461, %max3A_462 : f32
        %max3A_468 = arith.maximumf %max3A_463, %max3A_464 : f32
        %max3A_469 = arith.maximumf %max3A_465, %max3A_466 : f32
        %max3A_470 = arith.maximumf %max3A_467, %max3A_468 : f32
        %max3A_471 = arith.maximumf %max3A_469, %max3A_470 : f32
        %jit3A_472 = arith.constant 16 : i32
        %div3A_473 = arith.divsi %select_n3A_424, %jit3A_472 : i32
        %sign3A_474 = arith.constant 0 : i32
        %sign3A_475 = arith.cmpi sgt, %select_n3A_424, %sign3A_474 : i32
        %sign3A_476 = arith.extui %sign3A_475 : i1 to i32
        %sign3A_477 = arith.constant 0 : i32
        %sign3A_478 = arith.cmpi slt, %select_n3A_424, %sign3A_477 : i32
        %sign3A_479 = arith.extui %sign3A_478 : i1 to i32
        %sign3A_480 = arith.subi %sign3A_476, %sign3A_479 : i32
        %sign3A_481 = arith.constant 0 : i32
        %sign3A_482 = arith.cmpi sgt, %jit3A_472, %sign3A_481 : i32
        %sign3A_483 = arith.extui %sign3A_482 : i1 to i32
        %sign3A_484 = arith.constant 0 : i32
        %sign3A_485 = arith.cmpi slt, %jit3A_472, %sign3A_484 : i32
        %sign3A_486 = arith.extui %sign3A_485 : i1 to i32
        %sign3A_487 = arith.subi %sign3A_483, %sign3A_486 : i32
        %ne3A_488 = arith.cmpi ne, %sign3A_480, %sign3A_487 : i32
        %rem3A_489 = arith.remsi %select_n3A_424, %jit3A_472 : i32
        %ne3A_490 = arith.constant 0 : i32
        %ne3A_491 = arith.cmpi ne, %rem3A_489, %ne3A_490 : i32
        %and3A_492 = arith.andi %ne3A_488, %ne3A_491 : i1
        %sub3A_493 = arith.constant 1 : i32
        %sub3A_494 = arith.subi %div3A_473, %sub3A_493 : i32
        %select_n3A_495 = arith.select %and3A_492, %sub3A_494, %div3A_473 : i32
        %mul3A_496 = arith.constant 16 : i32
        %mul3A_497 = arith.muli %select_n3A_495, %mul3A_496 : i32
        %get3A_498 = arith.index_cast %mul3A_497 : i32 to index
        %get3A_499 = tpu.vector_load %arg8[%get3A_498] {strides = array<i32>} : memref<64xf32, #tpu.memory_space<vmem>>, vector<16xf32>,
        %get3A_500 = vector.shape_cast %get3A_499 : vector<16xf32> to vector<16xf32>
        %add3A_501 = vector.broadcast %mul3A_497 : i32 to vector<16xi32>
        %add3A_502 = arith.addi %iota3A, %add3A_501 : vector<16xi32>
        %eq3A_503 = vector.broadcast %select_n3A_424 : i32 to vector<16xi32>
        %eq3A_504 = arith.cmpi eq, %add3A_502, %eq3A_503 : vector<16xi32>
        %broadcast_in_dim3A_505 = vector.broadcast %max3A_471 : f32 to vector<16xf32>
        %select_n3A_506 = arith.select %eq3A_504, %broadcast_in_dim3A_505, %get3A_500 : vector<16xi1>, vector<16xf32>
        %swap3A_507 = arith.index_cast %mul3A_497 : i32 to index
        %swap3A_508 = tpu.vector_load %arg8[%swap3A_507] {strides = array<i32>} : memref<64xf32, #tpu.memory_space<vmem>>, vector<16xf32>,
        %swap3A_509 = vector.shape_cast %swap3A_508 : vector<16xf32> to vector<16xf32>
        %swap3A_510 = vector.shape_cast %select_n3A_506 : vector<16xf32> to vector<16xf32>
        tpu.vector_store %arg8[%swap3A_507], %swap3A_510 {strides = array<i32>} : memref<64xf32, #tpu.memory_space<vmem>>, vector<16xf32>,
        %jit3A_511 = arith.constant 16 : i32
        %div3A_512 = arith.divsi %scan3A_15, %jit3A_511 : i32
        %sign3A_513 = arith.constant 0 : i32
        %sign3A_514 = arith.cmpi sgt, %scan3A_15, %sign3A_513 : i32
        %sign3A_515 = arith.extui %sign3A_514 : i1 to i32
        %sign3A_516 = arith.constant 0 : i32
        %sign3A_517 = arith.cmpi slt, %scan3A_15, %sign3A_516 : i32
        %sign3A_518 = arith.extui %sign3A_517 : i1 to i32
        %sign3A_519 = arith.subi %sign3A_515, %sign3A_518 : i32
        %sign3A_520 = arith.constant 0 : i32
        %sign3A_521 = arith.cmpi sgt, %jit3A_511, %sign3A_520 : i32
        %sign3A_522 = arith.extui %sign3A_521 : i1 to i32
        %sign3A_523 = arith.constant 0 : i32
        %sign3A_524 = arith.cmpi slt, %jit3A_511, %sign3A_523 : i32
        %sign3A_525 = arith.extui %sign3A_524 : i1 to i32
        %sign3A_526 = arith.subi %sign3A_522, %sign3A_525 : i32
        %ne3A_527 = arith.cmpi ne, %sign3A_519, %sign3A_526 : i32
        %rem3A_528 = arith.remsi %scan3A_15, %jit3A_511 : i32
        %ne3A_529 = arith.constant 0 : i32
        %ne3A_530 = arith.cmpi ne, %rem3A_528, %ne3A_529 : i32
        %and3A_531 = arith.andi %ne3A_527, %ne3A_530 : i1
        %sub3A_532 = arith.constant 1 : i32
        %sub3A_533 = arith.subi %div3A_512, %sub3A_532 : i32
        %select_n3A_534 = arith.select %and3A_531, %sub3A_533, %div3A_512 : i32
        %mul3A_535 = arith.constant 16 : i32
        %mul3A_536 = arith.muli %select_n3A_534, %mul3A_535 : i32
        %get3A_537 = arith.index_cast %mul3A_536 : i32 to index
        %get3A_538 = tpu.vector_load %arg10[%get3A_537] {strides = array<i32>} : memref<64xf32, #tpu.memory_space<vmem>>, vector<16xf32>,
        %get3A_539 = vector.shape_cast %get3A_538 : vector<16xf32> to vector<16xf32>
        %add3A_540 = vector.broadcast %mul3A_536 : i32 to vector<16xi32>
        %add3A_541 = arith.addi %iota3A, %add3A_540 : vector<16xi32>
        %eq3A_542 = vector.broadcast %scan3A_15 : i32 to vector<16xi32>
        %eq3A_543 = arith.cmpi eq, %add3A_541, %eq3A_542 : vector<16xi32>
        %broadcast_in_dim3A_544 = vector.broadcast %max3A_66 : f32 to vector<16xf32>
        %select_n3A_545 = arith.select %eq3A_543, %broadcast_in_dim3A_544, %get3A_539 : vector<16xi1>, vector<16xf32>
        %swap3A_546 = arith.index_cast %mul3A_536 : i32 to index
        %swap3A_547 = tpu.vector_load %arg10[%swap3A_546] {strides = array<i32>} : memref<64xf32, #tpu.memory_space<vmem>>, vector<16xf32>,
        %swap3A_548 = vector.shape_cast %swap3A_547 : vector<16xf32> to vector<16xf32>
        %swap3A_549 = vector.shape_cast %select_n3A_545 : vector<16xf32> to vector<16xf32>
        tpu.vector_store %arg10[%swap3A_546], %swap3A_549 {strides = array<i32>} : memref<64xf32, #tpu.memory_space<vmem>>, vector<16xf32>,
        %jit3A_550 = arith.constant 16 : i32
        %div3A_551 = arith.divsi %scan3A_15, %jit3A_550 : i32
        %sign3A_552 = arith.constant 0 : i32
        %sign3A_553 = arith.cmpi sgt, %scan3A_15, %sign3A_552 : i32
        %sign3A_554 = arith.extui %sign3A_553 : i1 to i32
        %sign3A_555 = arith.constant 0 : i32
        %sign3A_556 = arith.cmpi slt, %scan3A_15, %sign3A_555 : i32
        %sign3A_557 = arith.extui %sign3A_556 : i1 to i32
        %sign3A_558 = arith.subi %sign3A_554, %sign3A_557 : i32
        %sign3A_559 = arith.constant 0 : i32
        %sign3A_560 = arith.cmpi sgt, %jit3A_550, %sign3A_559 : i32
        %sign3A_561 = arith.extui %sign3A_560 : i1 to i32
        %sign3A_562 = arith.constant 0 : i32
        %sign3A_563 = arith.cmpi slt, %jit3A_550, %sign3A_562 : i32
        %sign3A_564 = arith.extui %sign3A_563 : i1 to i32
        %sign3A_565 = arith.subi %sign3A_561, %sign3A_564 : i32
        %ne3A_566 = arith.cmpi ne, %sign3A_558, %sign3A_565 : i32
        %rem3A_567 = arith.remsi %scan3A_15, %jit3A_550 : i32
        %ne3A_568 = arith.constant 0 : i32
        %ne3A_569 = arith.cmpi ne, %rem3A_567, %ne3A_568 : i32
        %and3A_570 = arith.andi %ne3A_566, %ne3A_569 : i1
        %sub3A_571 = arith.constant 1 : i32
        %sub3A_572 = arith.subi %div3A_551, %sub3A_571 : i32
        %select_n3A_573 = arith.select %and3A_570, %sub3A_572, %div3A_551 : i32
        %mul3A_574 = arith.constant 16 : i32
        %mul3A_575 = arith.muli %select_n3A_573, %mul3A_574 : i32
        %get3A_576 = arith.index_cast %mul3A_575 : i32 to index
        %get3A_577 = tpu.vector_load %arg11[%get3A_576] {strides = array<i32>} : memref<64xi32, #tpu.memory_space<vmem>>, vector<16xi32>,
        %get3A_578 = vector.shape_cast %get3A_577 : vector<16xi32> to vector<16xi32>
        %add3A_579 = vector.broadcast %mul3A_575 : i32 to vector<16xi32>
        %add3A_580 = arith.addi %iota3A, %add3A_579 : vector<16xi32>
        %eq3A_581 = vector.broadcast %scan3A_15 : i32 to vector<16xi32>
        %eq3A_582 = arith.cmpi eq, %add3A_580, %eq3A_581 : vector<16xi32>
        %broadcast_in_dim3A_583 = vector.broadcast %min3A_244 : i32 to vector<16xi32>
        %select_n3A_584 = arith.select %eq3A_582, %broadcast_in_dim3A_583, %get3A_578 : vector<16xi1>, vector<16xi32>
        %swap3A_585 = arith.index_cast %mul3A_575 : i32 to index
        %swap3A_586 = tpu.vector_load %arg11[%swap3A_585] {strides = array<i32>} : memref<64xi32, #tpu.memory_space<vmem>>, vector<16xi32>,
        %swap3A_587 = vector.shape_cast %swap3A_586 : vector<16xi32> to vector<16xi32>
        %swap3A_588 = vector.shape_cast %select_n3A_584 : vector<16xi32> to vector<16xi32>
        tpu.vector_store %arg11[%swap3A_585], %swap3A_588 {strides = array<i32>} : memref<64xi32, #tpu.memory_space<vmem>>, vector<16xi32>,
        %jit3A_589 = arith.constant 16 : i32
        %div3A_590 = arith.divsi %scan3A_15, %jit3A_589 : i32
        %sign3A_591 = arith.constant 0 : i32
        %sign3A_592 = arith.cmpi sgt, %scan3A_15, %sign3A_591 : i32
        %sign3A_593 = arith.extui %sign3A_592 : i1 to i32
        %sign3A_594 = arith.constant 0 : i32
        %sign3A_595 = arith.cmpi slt, %scan3A_15, %sign3A_594 : i32
        %sign3A_596 = arith.extui %sign3A_595 : i1 to i32
        %sign3A_597 = arith.subi %sign3A_593, %sign3A_596 : i32
        %sign3A_598 = arith.constant 0 : i32
        %sign3A_599 = arith.cmpi sgt, %jit3A_589, %sign3A_598 : i32
        %sign3A_600 = arith.extui %sign3A_599 : i1 to i32
        %sign3A_601 = arith.constant 0 : i32
        %sign3A_602 = arith.cmpi slt, %jit3A_589, %sign3A_601 : i32
        %sign3A_603 = arith.extui %sign3A_602 : i1 to i32
        %sign3A_604 = arith.subi %sign3A_600, %sign3A_603 : i32
        %ne3A_605 = arith.cmpi ne, %sign3A_597, %sign3A_604 : i32
        %rem3A_606 = arith.remsi %scan3A_15, %jit3A_589 : i32
        %ne3A_607 = arith.constant 0 : i32
        %ne3A_608 = arith.cmpi ne, %rem3A_606, %ne3A_607 : i32
        %and3A_609 = arith.andi %ne3A_605, %ne3A_608 : i1
        %sub3A_610 = arith.constant 1 : i32
        %sub3A_611 = arith.subi %div3A_590, %sub3A_610 : i32
        %select_n3A_612 = arith.select %and3A_609, %sub3A_611, %div3A_590 : i32
        %mul3A_613 = arith.constant 16 : i32
        %mul3A_614 = arith.muli %select_n3A_612, %mul3A_613 : i32
        %get3A_615 = arith.index_cast %mul3A_614 : i32 to index
        %get3A_616 = tpu.vector_load %arg12[%get3A_615] {strides = array<i32>} : memref<64xi32, #tpu.memory_space<vmem>>, vector<16xi32>,
        %get3A_617 = vector.shape_cast %get3A_616 : vector<16xi32> to vector<16xi32>
        %add3A_618 = vector.broadcast %mul3A_614 : i32 to vector<16xi32>
        %add3A_619 = arith.addi %iota3A, %add3A_618 : vector<16xi32>
        %eq3A_620 = vector.broadcast %scan3A_15 : i32 to vector<16xi32>
        %eq3A_621 = arith.cmpi eq, %add3A_619, %eq3A_620 : vector<16xi32>
        %broadcast_in_dim3A_622 = vector.broadcast %min3A_177 : i32 to vector<16xi32>
        %select_n3A_623 = arith.select %eq3A_621, %broadcast_in_dim3A_622, %get3A_617 : vector<16xi1>, vector<16xi32>
        %swap3A_624 = arith.index_cast %mul3A_614 : i32 to index
        %swap3A_625 = tpu.vector_load %arg12[%swap3A_624] {strides = array<i32>} : memref<64xi32, #tpu.memory_space<vmem>>, vector<16xi32>,
        %swap3A_626 = vector.shape_cast %swap3A_625 : vector<16xi32> to vector<16xi32>
        %swap3A_627 = vector.shape_cast %select_n3A_623 : vector<16xi32> to vector<16xi32>
        tpu.vector_store %arg12[%swap3A_624], %swap3A_627 {strides = array<i32>} : memref<64xi32, #tpu.memory_space<vmem>>, vector<16xi32>,
      }
      %scan3A_14 = arith.constant 50 : i32
      "tpu.region"() ({
        %run_scoped3A = tpu.sem_alloc : memref<!tpu.dma_semaphore, #tpu.memory_space<semaphore_mem>>
        %dma_start3A = arith.constant 0 : i32
        %dma_start3A_15 = tpu.memref_slice %arg4[%add3A, %dma_start3A] : memref<8x64xf32, #tpu.memory_space<hbm>> -> memref<1x64xf32, #tpu.memory_space<hbm>>
        %dma_start3A_16 = tpu.memref_squeeze %dma_start3A_15 : memref<1x64xf32, #tpu.memory_space<hbm>> -> memref<64xf32, #tpu.memory_space<hbm>>
        %dma_start3A_17 = arith.constant 0 : i32
        %dma_start3A_18 = tpu.memref_slice %arg4[%add3A, %dma_start3A_17] : memref<8x64xf32, #tpu.memory_space<hbm>> -> memref<1x64xf32, #tpu.memory_space<hbm>>
        %dma_start3A_19 = tpu.memref_squeeze %dma_start3A_18 : memref<1x64xf32, #tpu.memory_space<hbm>> -> memref<64xf32, #tpu.memory_space<hbm>>
        tpu.enqueue_dma source(%arg10 : memref<64xf32, #tpu.memory_space<vmem>>) target(%dma_start3A_19 : memref<64xf32, #tpu.memory_space<hbm>>) target_semaphore(%run_scoped3A : memref<!tpu.dma_semaphore, #tpu.memory_space<semaphore_mem>>)
        %dma_wait3A = arith.constant 0 : i32
        %dma_wait3A_20 = tpu.memref_slice %arg4[%add3A, %dma_wait3A] : memref<8x64xf32, #tpu.memory_space<hbm>> -> memref<1x64xf32, #tpu.memory_space<hbm>>
        %dma_wait3A_21 = tpu.memref_squeeze %dma_wait3A_20 : memref<1x64xf32, #tpu.memory_space<hbm>> -> memref<64xf32, #tpu.memory_space<hbm>>
        %dma_wait3A_22 = arith.constant 0 : i32
        %dma_wait3A_23 = tpu.memref_slice %arg4[%add3A, %dma_wait3A_22] : memref<8x64xf32, #tpu.memory_space<hbm>> -> memref<1x64xf32, #tpu.memory_space<hbm>>
        %dma_wait3A_24 = tpu.memref_squeeze %dma_wait3A_23 : memref<1x64xf32, #tpu.memory_space<hbm>> -> memref<64xf32, #tpu.memory_space<hbm>>
        tpu.wait_dma2 semaphore(%run_scoped3A : memref<!tpu.dma_semaphore, #tpu.memory_space<semaphore_mem>>) src(%arg10 : memref<64xf32, #tpu.memory_space<vmem>>) dst(%dma_wait3A_24 : memref<64xf32, #tpu.memory_space<hbm>>)
        tpu.yield
      }) : () -> ()
      "tpu.region"() ({
        %run_scoped3A = tpu.sem_alloc : memref<!tpu.dma_semaphore, #tpu.memory_space<semaphore_mem>>
        %dma_start3A = arith.constant 0 : i32
        %dma_start3A_15 = tpu.memref_slice %arg5[%add3A, %dma_start3A] : memref<8x64xi32, #tpu.memory_space<hbm>> -> memref<1x64xi32, #tpu.memory_space<hbm>>
        %dma_start3A_16 = tpu.memref_squeeze %dma_start3A_15 : memref<1x64xi32, #tpu.memory_space<hbm>> -> memref<64xi32, #tpu.memory_space<hbm>>
        %dma_start3A_17 = arith.constant 0 : i32
        %dma_start3A_18 = tpu.memref_slice %arg5[%add3A, %dma_start3A_17] : memref<8x64xi32, #tpu.memory_space<hbm>> -> memref<1x64xi32, #tpu.memory_space<hbm>>
        %dma_start3A_19 = tpu.memref_squeeze %dma_start3A_18 : memref<1x64xi32, #tpu.memory_space<hbm>> -> memref<64xi32, #tpu.memory_space<hbm>>
        tpu.enqueue_dma source(%arg11 : memref<64xi32, #tpu.memory_space<vmem>>) target(%dma_start3A_19 : memref<64xi32, #tpu.memory_space<hbm>>) target_semaphore(%run_scoped3A : memref<!tpu.dma_semaphore, #tpu.memory_space<semaphore_mem>>)
        %dma_wait3A = arith.constant 0 : i32
        %dma_wait3A_20 = tpu.memref_slice %arg5[%add3A, %dma_wait3A] : memref<8x64xi32, #tpu.memory_space<hbm>> -> memref<1x64xi32, #tpu.memory_space<hbm>>
        %dma_wait3A_21 = tpu.memref_squeeze %dma_wait3A_20 : memref<1x64xi32, #tpu.memory_space<hbm>> -> memref<64xi32, #tpu.memory_space<hbm>>
        %dma_wait3A_22 = arith.constant 0 : i32
        %dma_wait3A_23 = tpu.memref_slice %arg5[%add3A, %dma_wait3A_22] : memref<8x64xi32, #tpu.memory_space<hbm>> -> memref<1x64xi32, #tpu.memory_space<hbm>>
        %dma_wait3A_24 = tpu.memref_squeeze %dma_wait3A_23 : memref<1x64xi32, #tpu.memory_space<hbm>> -> memref<64xi32, #tpu.memory_space<hbm>>
        tpu.wait_dma2 semaphore(%run_scoped3A : memref<!tpu.dma_semaphore, #tpu.memory_space<semaphore_mem>>) src(%arg11 : memref<64xi32, #tpu.memory_space<vmem>>) dst(%dma_wait3A_24 : memref<64xi32, #tpu.memory_space<hbm>>)
        tpu.yield
      }) : () -> ()
      "tpu.region"() ({
        %run_scoped3A = tpu.sem_alloc : memref<!tpu.dma_semaphore, #tpu.memory_space<semaphore_mem>>
        %dma_start3A = arith.constant 0 : i32
        %dma_start3A_15 = tpu.memref_slice %arg6[%add3A, %dma_start3A] : memref<8x64xi32, #tpu.memory_space<hbm>> -> memref<1x64xi32, #tpu.memory_space<hbm>>
        %dma_start3A_16 = tpu.memref_squeeze %dma_start3A_15 : memref<1x64xi32, #tpu.memory_space<hbm>> -> memref<64xi32, #tpu.memory_space<hbm>>
        %dma_start3A_17 = arith.constant 0 : i32
        %dma_start3A_18 = tpu.memref_slice %arg6[%add3A, %dma_start3A_17] : memref<8x64xi32, #tpu.memory_space<hbm>> -> memref<1x64xi32, #tpu.memory_space<hbm>>
        %dma_start3A_19 = tpu.memref_squeeze %dma_start3A_18 : memref<1x64xi32, #tpu.memory_space<hbm>> -> memref<64xi32, #tpu.memory_space<hbm>>
        tpu.enqueue_dma source(%arg12 : memref<64xi32, #tpu.memory_space<vmem>>) target(%dma_start3A_19 : memref<64xi32, #tpu.memory_space<hbm>>) target_semaphore(%run_scoped3A : memref<!tpu.dma_semaphore, #tpu.memory_space<semaphore_mem>>)
        %dma_wait3A = arith.constant 0 : i32
        %dma_wait3A_20 = tpu.memref_slice %arg6[%add3A, %dma_wait3A] : memref<8x64xi32, #tpu.memory_space<hbm>> -> memref<1x64xi32, #tpu.memory_space<hbm>>
        %dma_wait3A_21 = tpu.memref_squeeze %dma_wait3A_20 : memref<1x64xi32, #tpu.memory_space<hbm>> -> memref<64xi32, #tpu.memory_space<hbm>>
        %dma_wait3A_22 = arith.constant 0 : i32
        %dma_wait3A_23 = tpu.memref_slice %arg6[%add3A, %dma_wait3A_22] : memref<8x64xi32, #tpu.memory_space<hbm>> -> memref<1x64xi32, #tpu.memory_space<hbm>>
        %dma_wait3A_24 = tpu.memref_squeeze %dma_wait3A_23 : memref<1x64xi32, #tpu.memory_space<hbm>> -> memref<64xi32, #tpu.memory_space<hbm>>
        tpu.wait_dma2 semaphore(%run_scoped3A : memref<!tpu.dma_semaphore, #tpu.memory_space<semaphore_mem>>) src(%arg12 : memref<64xi32, #tpu.memory_space<vmem>>) dst(%dma_wait3A_24 : memref<64xi32, #tpu.memory_space<hbm>>)
        tpu.yield
      }) : () -> ()
    } else {
    }
    return
  }
}

module attributes {stable_mosaic.version = 14 : i64} {
  func.func @_bx_body(%arg0: i32, %arg1: memref<8x64xi32, #tpu.memory_space<vmem>>, %arg2: memref<8x4x900xf32, #tpu.memory_space<vmem>>, %arg3: memref<8x50x4xf32, #tpu.memory_space<vmem>>) attributes {dimension_semantics = [#tpu.dimension_semantics<arbitrary>], iteration_bounds = array<i64: 1>, scalar_prefetch = 0 : i64, scratch_operands = 0 : i64, tpu.core_type = #tpu.core_type<tc>, window_params = [{pipeline_mode = #tpu.pipeline_mode<synchronous>, transform_indices = @transform_0, window_bounds = array<i64: 8, 64>}, {pipeline_mode = #tpu.pipeline_mode<synchronous>, transform_indices = @transform_1, window_bounds = array<i64: 8, 4, 900>}, {pipeline_mode = #tpu.pipeline_mode<synchronous>, transform_indices = @transform_2, window_bounds = array<i64: 8, 50, 4>}]} {
    %iota3A = tpu.iota {dimensions = array<i32: 1>} : vector<50x900xi32>
    %get3A = arith.constant 0 : index
    %get3A_0 = arith.constant 0 : index
    %get3A_1 = vector.load %arg1[%get3A, %get3A_0] : memref<8x64xi32, #tpu.memory_space<vmem>>, vector<1x50xi32>
    %get3A_2 = vector.shape_cast %get3A_1 : vector<1x50xi32> to vector<50xi32>
    %reshape3A = vector.shape_cast %get3A_2 : vector<50xi32> to vector<50x1xi32>
    %eq3A = vector.broadcast %reshape3A : vector<50x1xi32> to vector<50x900xi32>
    %eq3A_3 = arith.cmpi eq, %iota3A, %eq3A : vector<50x900xi32>
    %convert_element_type3A = arith.extui %eq3A_3 : vector<50x900xi1> to vector<50x900xi32>
    %convert_element_type3A_4 = arith.sitofp %convert_element_type3A : vector<50x900xi32> to vector<50x900xf32>
    %get3A_5 = arith.constant 0 : index
    %get3A_6 = arith.constant 0 : index
    %get3A_7 = arith.constant 0 : index
    %get3A_8 = vector.load %arg2[%get3A_5, %get3A_6, %get3A_7] : memref<8x4x900xf32, #tpu.memory_space<vmem>>, vector<1x4x900xf32>
    %get3A_9 = vector.shape_cast %get3A_8 : vector<1x4x900xf32> to vector<4x900xf32>
    %dot_general3A = arith.constant dense<0.000000e+00> : vector<50x4xf32>
    %dot_general3A_10 = tpu.matmul %convert_element_type3A_4, %get3A_9, %dot_general3A {dimension_numbers = #tpu.dot_dimension_numbers<[1], [1], [0], [0], [0, 0, 1, 0], [], []>, precision = #tpu.contract_precision<fp32>, transpose_lhs_hint = false} : vector<50x900xf32>, vector<4x900xf32>, vector<50x4xf32> -> vector<50x4xf32>
    %swap3A = arith.constant 0 : index
    %swap3A_11 = arith.constant 0 : index
    %swap3A_12 = arith.constant 0 : index
    %swap3A_13 = vector.load %arg3[%swap3A, %swap3A_11, %swap3A_12] : memref<8x50x4xf32, #tpu.memory_space<vmem>>, vector<1x50x4xf32>
    %swap3A_14 = vector.shape_cast %swap3A_13 : vector<1x50x4xf32> to vector<50x4xf32>
    %swap3A_15 = vector.shape_cast %dot_general3A_10 : vector<50x4xf32> to vector<1x50x4xf32>
    tpu.vector_store %arg3[%swap3A, %swap3A_11, %swap3A_12], %swap3A_15 {strides = array<i32>} : memref<8x50x4xf32, #tpu.memory_space<vmem>>, vector<1x50x4xf32>,
    %get3A_16 = arith.constant 1 : index
    %get3A_17 = arith.constant 0 : index
    %get3A_18 = vector.load %arg1[%get3A_16, %get3A_17] : memref<8x64xi32, #tpu.memory_space<vmem>>, vector<1x50xi32>
    %get3A_19 = vector.shape_cast %get3A_18 : vector<1x50xi32> to vector<50xi32>
    %reshape3A_20 = vector.shape_cast %get3A_19 : vector<50xi32> to vector<50x1xi32>
    %eq3A_21 = vector.broadcast %reshape3A_20 : vector<50x1xi32> to vector<50x900xi32>
    %eq3A_22 = arith.cmpi eq, %iota3A, %eq3A_21 : vector<50x900xi32>
    %convert_element_type3A_23 = arith.extui %eq3A_22 : vector<50x900xi1> to vector<50x900xi32>
    %convert_element_type3A_24 = arith.sitofp %convert_element_type3A_23 : vector<50x900xi32> to vector<50x900xf32>
    %get3A_25 = arith.constant 1 : index
    %get3A_26 = arith.constant 0 : index
    %get3A_27 = arith.constant 0 : index
    %get3A_28 = vector.load %arg2[%get3A_25, %get3A_26, %get3A_27] : memref<8x4x900xf32, #tpu.memory_space<vmem>>, vector<1x4x900xf32>
    %get3A_29 = vector.shape_cast %get3A_28 : vector<1x4x900xf32> to vector<4x900xf32>
    %dot_general3A_30 = arith.constant dense<0.000000e+00> : vector<50x4xf32>
    %dot_general3A_31 = tpu.matmul %convert_element_type3A_24, %get3A_29, %dot_general3A_30 {dimension_numbers = #tpu.dot_dimension_numbers<[1], [1], [0], [0], [0, 0, 1, 0], [], []>, precision = #tpu.contract_precision<fp32>, transpose_lhs_hint = false} : vector<50x900xf32>, vector<4x900xf32>, vector<50x4xf32> -> vector<50x4xf32>
    %swap3A_32 = arith.constant 1 : index
    %swap3A_33 = arith.constant 0 : index
    %swap3A_34 = arith.constant 0 : index
    %swap3A_35 = vector.load %arg3[%swap3A_32, %swap3A_33, %swap3A_34] : memref<8x50x4xf32, #tpu.memory_space<vmem>>, vector<1x50x4xf32>
    %swap3A_36 = vector.shape_cast %swap3A_35 : vector<1x50x4xf32> to vector<50x4xf32>
    %swap3A_37 = vector.shape_cast %dot_general3A_31 : vector<50x4xf32> to vector<1x50x4xf32>
    tpu.vector_store %arg3[%swap3A_32, %swap3A_33, %swap3A_34], %swap3A_37 {strides = array<i32>} : memref<8x50x4xf32, #tpu.memory_space<vmem>>, vector<1x50x4xf32>,
    %get3A_38 = arith.constant 2 : index
    %get3A_39 = arith.constant 0 : index
    %get3A_40 = vector.load %arg1[%get3A_38, %get3A_39] : memref<8x64xi32, #tpu.memory_space<vmem>>, vector<1x50xi32>
    %get3A_41 = vector.shape_cast %get3A_40 : vector<1x50xi32> to vector<50xi32>
    %reshape3A_42 = vector.shape_cast %get3A_41 : vector<50xi32> to vector<50x1xi32>
    %eq3A_43 = vector.broadcast %reshape3A_42 : vector<50x1xi32> to vector<50x900xi32>
    %eq3A_44 = arith.cmpi eq, %iota3A, %eq3A_43 : vector<50x900xi32>
    %convert_element_type3A_45 = arith.extui %eq3A_44 : vector<50x900xi1> to vector<50x900xi32>
    %convert_element_type3A_46 = arith.sitofp %convert_element_type3A_45 : vector<50x900xi32> to vector<50x900xf32>
    %get3A_47 = arith.constant 2 : index
    %get3A_48 = arith.constant 0 : index
    %get3A_49 = arith.constant 0 : index
    %get3A_50 = vector.load %arg2[%get3A_47, %get3A_48, %get3A_49] : memref<8x4x900xf32, #tpu.memory_space<vmem>>, vector<1x4x900xf32>
    %get3A_51 = vector.shape_cast %get3A_50 : vector<1x4x900xf32> to vector<4x900xf32>
    %dot_general3A_52 = arith.constant dense<0.000000e+00> : vector<50x4xf32>
    %dot_general3A_53 = tpu.matmul %convert_element_type3A_46, %get3A_51, %dot_general3A_52 {dimension_numbers = #tpu.dot_dimension_numbers<[1], [1], [0], [0], [0, 0, 1, 0], [], []>, precision = #tpu.contract_precision<fp32>, transpose_lhs_hint = false} : vector<50x900xf32>, vector<4x900xf32>, vector<50x4xf32> -> vector<50x4xf32>
    %swap3A_54 = arith.constant 2 : index
    %swap3A_55 = arith.constant 0 : index
    %swap3A_56 = arith.constant 0 : index
    %swap3A_57 = vector.load %arg3[%swap3A_54, %swap3A_55, %swap3A_56] : memref<8x50x4xf32, #tpu.memory_space<vmem>>, vector<1x50x4xf32>
    %swap3A_58 = vector.shape_cast %swap3A_57 : vector<1x50x4xf32> to vector<50x4xf32>
    %swap3A_59 = vector.shape_cast %dot_general3A_53 : vector<50x4xf32> to vector<1x50x4xf32>
    tpu.vector_store %arg3[%swap3A_54, %swap3A_55, %swap3A_56], %swap3A_59 {strides = array<i32>} : memref<8x50x4xf32, #tpu.memory_space<vmem>>, vector<1x50x4xf32>,
    %get3A_60 = arith.constant 3 : index
    %get3A_61 = arith.constant 0 : index
    %get3A_62 = vector.load %arg1[%get3A_60, %get3A_61] : memref<8x64xi32, #tpu.memory_space<vmem>>, vector<1x50xi32>
    %get3A_63 = vector.shape_cast %get3A_62 : vector<1x50xi32> to vector<50xi32>
    %reshape3A_64 = vector.shape_cast %get3A_63 : vector<50xi32> to vector<50x1xi32>
    %eq3A_65 = vector.broadcast %reshape3A_64 : vector<50x1xi32> to vector<50x900xi32>
    %eq3A_66 = arith.cmpi eq, %iota3A, %eq3A_65 : vector<50x900xi32>
    %convert_element_type3A_67 = arith.extui %eq3A_66 : vector<50x900xi1> to vector<50x900xi32>
    %convert_element_type3A_68 = arith.sitofp %convert_element_type3A_67 : vector<50x900xi32> to vector<50x900xf32>
    %get3A_69 = arith.constant 3 : index
    %get3A_70 = arith.constant 0 : index
    %get3A_71 = arith.constant 0 : index
    %get3A_72 = vector.load %arg2[%get3A_69, %get3A_70, %get3A_71] : memref<8x4x900xf32, #tpu.memory_space<vmem>>, vector<1x4x900xf32>
    %get3A_73 = vector.shape_cast %get3A_72 : vector<1x4x900xf32> to vector<4x900xf32>
    %dot_general3A_74 = arith.constant dense<0.000000e+00> : vector<50x4xf32>
    %dot_general3A_75 = tpu.matmul %convert_element_type3A_68, %get3A_73, %dot_general3A_74 {dimension_numbers = #tpu.dot_dimension_numbers<[1], [1], [0], [0], [0, 0, 1, 0], [], []>, precision = #tpu.contract_precision<fp32>, transpose_lhs_hint = false} : vector<50x900xf32>, vector<4x900xf32>, vector<50x4xf32> -> vector<50x4xf32>
    %swap3A_76 = arith.constant 3 : index
    %swap3A_77 = arith.constant 0 : index
    %swap3A_78 = arith.constant 0 : index
    %swap3A_79 = vector.load %arg3[%swap3A_76, %swap3A_77, %swap3A_78] : memref<8x50x4xf32, #tpu.memory_space<vmem>>, vector<1x50x4xf32>
    %swap3A_80 = vector.shape_cast %swap3A_79 : vector<1x50x4xf32> to vector<50x4xf32>
    %swap3A_81 = vector.shape_cast %dot_general3A_75 : vector<50x4xf32> to vector<1x50x4xf32>
    tpu.vector_store %arg3[%swap3A_76, %swap3A_77, %swap3A_78], %swap3A_81 {strides = array<i32>} : memref<8x50x4xf32, #tpu.memory_space<vmem>>, vector<1x50x4xf32>,
    %get3A_82 = arith.constant 4 : index
    %get3A_83 = arith.constant 0 : index
    %get3A_84 = vector.load %arg1[%get3A_82, %get3A_83] : memref<8x64xi32, #tpu.memory_space<vmem>>, vector<1x50xi32>
    %get3A_85 = vector.shape_cast %get3A_84 : vector<1x50xi32> to vector<50xi32>
    %reshape3A_86 = vector.shape_cast %get3A_85 : vector<50xi32> to vector<50x1xi32>
    %eq3A_87 = vector.broadcast %reshape3A_86 : vector<50x1xi32> to vector<50x900xi32>
    %eq3A_88 = arith.cmpi eq, %iota3A, %eq3A_87 : vector<50x900xi32>
    %convert_element_type3A_89 = arith.extui %eq3A_88 : vector<50x900xi1> to vector<50x900xi32>
    %convert_element_type3A_90 = arith.sitofp %convert_element_type3A_89 : vector<50x900xi32> to vector<50x900xf32>
    %get3A_91 = arith.constant 4 : index
    %get3A_92 = arith.constant 0 : index
    %get3A_93 = arith.constant 0 : index
    %get3A_94 = vector.load %arg2[%get3A_91, %get3A_92, %get3A_93] : memref<8x4x900xf32, #tpu.memory_space<vmem>>, vector<1x4x900xf32>
    %get3A_95 = vector.shape_cast %get3A_94 : vector<1x4x900xf32> to vector<4x900xf32>
    %dot_general3A_96 = arith.constant dense<0.000000e+00> : vector<50x4xf32>
    %dot_general3A_97 = tpu.matmul %convert_element_type3A_90, %get3A_95, %dot_general3A_96 {dimension_numbers = #tpu.dot_dimension_numbers<[1], [1], [0], [0], [0, 0, 1, 0], [], []>, precision = #tpu.contract_precision<fp32>, transpose_lhs_hint = false} : vector<50x900xf32>, vector<4x900xf32>, vector<50x4xf32> -> vector<50x4xf32>
    %swap3A_98 = arith.constant 4 : index
    %swap3A_99 = arith.constant 0 : index
    %swap3A_100 = arith.constant 0 : index
    %swap3A_101 = vector.load %arg3[%swap3A_98, %swap3A_99, %swap3A_100] : memref<8x50x4xf32, #tpu.memory_space<vmem>>, vector<1x50x4xf32>
    %swap3A_102 = vector.shape_cast %swap3A_101 : vector<1x50x4xf32> to vector<50x4xf32>
    %swap3A_103 = vector.shape_cast %dot_general3A_97 : vector<50x4xf32> to vector<1x50x4xf32>
    tpu.vector_store %arg3[%swap3A_98, %swap3A_99, %swap3A_100], %swap3A_103 {strides = array<i32>} : memref<8x50x4xf32, #tpu.memory_space<vmem>>, vector<1x50x4xf32>,
    %get3A_104 = arith.constant 5 : index
    %get3A_105 = arith.constant 0 : index
    %get3A_106 = vector.load %arg1[%get3A_104, %get3A_105] : memref<8x64xi32, #tpu.memory_space<vmem>>, vector<1x50xi32>
    %get3A_107 = vector.shape_cast %get3A_106 : vector<1x50xi32> to vector<50xi32>
    %reshape3A_108 = vector.shape_cast %get3A_107 : vector<50xi32> to vector<50x1xi32>
    %eq3A_109 = vector.broadcast %reshape3A_108 : vector<50x1xi32> to vector<50x900xi32>
    %eq3A_110 = arith.cmpi eq, %iota3A, %eq3A_109 : vector<50x900xi32>
    %convert_element_type3A_111 = arith.extui %eq3A_110 : vector<50x900xi1> to vector<50x900xi32>
    %convert_element_type3A_112 = arith.sitofp %convert_element_type3A_111 : vector<50x900xi32> to vector<50x900xf32>
    %get3A_113 = arith.constant 5 : index
    %get3A_114 = arith.constant 0 : index
    %get3A_115 = arith.constant 0 : index
    %get3A_116 = vector.load %arg2[%get3A_113, %get3A_114, %get3A_115] : memref<8x4x900xf32, #tpu.memory_space<vmem>>, vector<1x4x900xf32>
    %get3A_117 = vector.shape_cast %get3A_116 : vector<1x4x900xf32> to vector<4x900xf32>
    %dot_general3A_118 = arith.constant dense<0.000000e+00> : vector<50x4xf32>
    %dot_general3A_119 = tpu.matmul %convert_element_type3A_112, %get3A_117, %dot_general3A_118 {dimension_numbers = #tpu.dot_dimension_numbers<[1], [1], [0], [0], [0, 0, 1, 0], [], []>, precision = #tpu.contract_precision<fp32>, transpose_lhs_hint = false} : vector<50x900xf32>, vector<4x900xf32>, vector<50x4xf32> -> vector<50x4xf32>
    %swap3A_120 = arith.constant 5 : index
    %swap3A_121 = arith.constant 0 : index
    %swap3A_122 = arith.constant 0 : index
    %swap3A_123 = vector.load %arg3[%swap3A_120, %swap3A_121, %swap3A_122] : memref<8x50x4xf32, #tpu.memory_space<vmem>>, vector<1x50x4xf32>
    %swap3A_124 = vector.shape_cast %swap3A_123 : vector<1x50x4xf32> to vector<50x4xf32>
    %swap3A_125 = vector.shape_cast %dot_general3A_119 : vector<50x4xf32> to vector<1x50x4xf32>
    tpu.vector_store %arg3[%swap3A_120, %swap3A_121, %swap3A_122], %swap3A_125 {strides = array<i32>} : memref<8x50x4xf32, #tpu.memory_space<vmem>>, vector<1x50x4xf32>,
    %get3A_126 = arith.constant 6 : index
    %get3A_127 = arith.constant 0 : index
    %get3A_128 = vector.load %arg1[%get3A_126, %get3A_127] : memref<8x64xi32, #tpu.memory_space<vmem>>, vector<1x50xi32>
    %get3A_129 = vector.shape_cast %get3A_128 : vector<1x50xi32> to vector<50xi32>
    %reshape3A_130 = vector.shape_cast %get3A_129 : vector<50xi32> to vector<50x1xi32>
    %eq3A_131 = vector.broadcast %reshape3A_130 : vector<50x1xi32> to vector<50x900xi32>
    %eq3A_132 = arith.cmpi eq, %iota3A, %eq3A_131 : vector<50x900xi32>
    %convert_element_type3A_133 = arith.extui %eq3A_132 : vector<50x900xi1> to vector<50x900xi32>
    %convert_element_type3A_134 = arith.sitofp %convert_element_type3A_133 : vector<50x900xi32> to vector<50x900xf32>
    %get3A_135 = arith.constant 6 : index
    %get3A_136 = arith.constant 0 : index
    %get3A_137 = arith.constant 0 : index
    %get3A_138 = vector.load %arg2[%get3A_135, %get3A_136, %get3A_137] : memref<8x4x900xf32, #tpu.memory_space<vmem>>, vector<1x4x900xf32>
    %get3A_139 = vector.shape_cast %get3A_138 : vector<1x4x900xf32> to vector<4x900xf32>
    %dot_general3A_140 = arith.constant dense<0.000000e+00> : vector<50x4xf32>
    %dot_general3A_141 = tpu.matmul %convert_element_type3A_134, %get3A_139, %dot_general3A_140 {dimension_numbers = #tpu.dot_dimension_numbers<[1], [1], [0], [0], [0, 0, 1, 0], [], []>, precision = #tpu.contract_precision<fp32>, transpose_lhs_hint = false} : vector<50x900xf32>, vector<4x900xf32>, vector<50x4xf32> -> vector<50x4xf32>
    %swap3A_142 = arith.constant 6 : index
    %swap3A_143 = arith.constant 0 : index
    %swap3A_144 = arith.constant 0 : index
    %swap3A_145 = vector.load %arg3[%swap3A_142, %swap3A_143, %swap3A_144] : memref<8x50x4xf32, #tpu.memory_space<vmem>>, vector<1x50x4xf32>
    %swap3A_146 = vector.shape_cast %swap3A_145 : vector<1x50x4xf32> to vector<50x4xf32>
    %swap3A_147 = vector.shape_cast %dot_general3A_141 : vector<50x4xf32> to vector<1x50x4xf32>
    tpu.vector_store %arg3[%swap3A_142, %swap3A_143, %swap3A_144], %swap3A_147 {strides = array<i32>} : memref<8x50x4xf32, #tpu.memory_space<vmem>>, vector<1x50x4xf32>,
    %get3A_148 = arith.constant 7 : index
    %get3A_149 = arith.constant 0 : index
    %get3A_150 = vector.load %arg1[%get3A_148, %get3A_149] : memref<8x64xi32, #tpu.memory_space<vmem>>, vector<1x50xi32>
    %get3A_151 = vector.shape_cast %get3A_150 : vector<1x50xi32> to vector<50xi32>
    %reshape3A_152 = vector.shape_cast %get3A_151 : vector<50xi32> to vector<50x1xi32>
    %eq3A_153 = vector.broadcast %reshape3A_152 : vector<50x1xi32> to vector<50x900xi32>
    %eq3A_154 = arith.cmpi eq, %iota3A, %eq3A_153 : vector<50x900xi32>
    %convert_element_type3A_155 = arith.extui %eq3A_154 : vector<50x900xi1> to vector<50x900xi32>
    %convert_element_type3A_156 = arith.sitofp %convert_element_type3A_155 : vector<50x900xi32> to vector<50x900xf32>
    %get3A_157 = arith.constant 7 : index
    %get3A_158 = arith.constant 0 : index
    %get3A_159 = arith.constant 0 : index
    %get3A_160 = vector.load %arg2[%get3A_157, %get3A_158, %get3A_159] : memref<8x4x900xf32, #tpu.memory_space<vmem>>, vector<1x4x900xf32>
    %get3A_161 = vector.shape_cast %get3A_160 : vector<1x4x900xf32> to vector<4x900xf32>
    %dot_general3A_162 = arith.constant dense<0.000000e+00> : vector<50x4xf32>
    %dot_general3A_163 = tpu.matmul %convert_element_type3A_156, %get3A_161, %dot_general3A_162 {dimension_numbers = #tpu.dot_dimension_numbers<[1], [1], [0], [0], [0, 0, 1, 0], [], []>, precision = #tpu.contract_precision<fp32>, transpose_lhs_hint = false} : vector<50x900xf32>, vector<4x900xf32>, vector<50x4xf32> -> vector<50x4xf32>
    %swap3A_164 = arith.constant 7 : index
    %swap3A_165 = arith.constant 0 : index
    %swap3A_166 = arith.constant 0 : index
    %swap3A_167 = vector.load %arg3[%swap3A_164, %swap3A_165, %swap3A_166] : memref<8x50x4xf32, #tpu.memory_space<vmem>>, vector<1x50x4xf32>
    %swap3A_168 = vector.shape_cast %swap3A_167 : vector<1x50x4xf32> to vector<50x4xf32>
    %swap3A_169 = vector.shape_cast %dot_general3A_163 : vector<50x4xf32> to vector<1x50x4xf32>
    tpu.vector_store %arg3[%swap3A_164, %swap3A_165, %swap3A_166], %swap3A_169 {strides = array<i32>} : memref<8x50x4xf32, #tpu.memory_space<vmem>>, vector<1x50x4xf32>,
    return
  }
  func.func @transform_0(%arg0: i32) -> (i32, i32) {
    %c0_i32 = arith.constant 0 : i32
    %c0_i32_0 = arith.constant 0 : i32
    %c0_i32_1 = arith.constant 0 : i32
    return %c0_i32, %c0_i32_0 : i32, i32
  }
  func.func @transform_1(%arg0: i32) -> (i32, i32, i32) {
    %c0_i32 = arith.constant 0 : i32
    %c0_i32_0 = arith.constant 0 : i32
    %c0_i32_1 = arith.constant 0 : i32
    %c0_i32_2 = arith.constant 0 : i32
    return %c0_i32, %c0_i32_0, %c0_i32_1 : i32, i32, i32
  }
  func.func @transform_2(%arg0: i32) -> (i32, i32, i32) {
    %c0_i32 = arith.constant 0 : i32
    %c0_i32_0 = arith.constant 0 : i32
    %c0_i32_1 = arith.constant 0 : i32
    %c0_i32_2 = arith.constant 0 : i32
    return %c0_i32, %c0_i32_0, %c0_i32_1 : i32, i32, i32
  }
}

module attributes {stable_mosaic.version = 14 : i64} {
  func.func @_mm_body(%arg0: i32, %arg1: memref<128x8x512xf32, #tpu.memory_space<vmem>>, %arg2: memref<8x4x900xf32, #tpu.memory_space<vmem>>, %arg3: memref<8x2xf32, #tpu.memory_space<smem>>, %arg4: memref<400x512xf32, #tpu.memory_space<vmem>>, %arg5: memref<8192x400xf32, #tpu.memory_space<vmem>>, %arg6: memref<8x1024xf32, #tpu.memory_space<vmem>>, %arg7: memref<8x4x900xf32, #tpu.memory_space<vmem>>) attributes {dimension_semantics = [#tpu.dimension_semantics<arbitrary>], iteration_bounds = array<i64: 8>, scalar_prefetch = 0 : i64, scratch_operands = 0 : i64, tpu.core_type = #tpu.core_type<tc>, window_params = [{transform_indices = @transform_0, window_bounds = array<i64: 128, 8, 512>}, {pipeline_mode = #tpu.pipeline_mode<synchronous>, transform_indices = @transform_1, window_bounds = array<i64: 8, 4, 900>}, {transform_indices = @transform_2, window_bounds = array<i64: 8, 2>}, {pipeline_mode = #tpu.pipeline_mode<synchronous>, transform_indices = @transform_3, window_bounds = array<i64: 400, 512>}, {pipeline_mode = #tpu.pipeline_mode<synchronous>, transform_indices = @transform_4, window_bounds = array<i64: 8192, 400>}, {pipeline_mode = #tpu.pipeline_mode<synchronous>, transform_indices = @transform_5, window_bounds = array<i64: 8, 1024>}, {pipeline_mode = #tpu.pipeline_mode<synchronous>, transform_indices = @transform_6, window_bounds = array<i64: 8, 4, 900>}]} {
    %get3A = arith.constant 0 : index
    %get3A_0 = arith.constant 0 : index
    %get3A_1 = arith.constant 0 : index
    %get3A_2 = vector.load %arg1[%get3A, %get3A_0, %get3A_1] : memref<128x8x512xf32, #tpu.memory_space<vmem>>, vector<128x8x512xf32>
    %reshape3A = vector.shape_cast %get3A_2 : vector<128x8x512xf32> to vector<1024x512xf32>
    %logistic3A = arith.negf %reshape3A : vector<1024x512xf32>
    %logistic3A_3 = math.exp %logistic3A : vector<1024x512xf32>
    %logistic3A_4 = arith.constant 1.000000e+00 : f32
    %logistic3A_5 = vector.broadcast %logistic3A_4 : f32 to vector<1024x512xf32>
    %logistic3A_6 = arith.addf %logistic3A_5, %logistic3A_3 : vector<1024x512xf32>
    %logistic3A_7 = arith.divf %logistic3A_5, %logistic3A_6 : vector<1024x512xf32>
    %convert_element_type3A = arith.truncf %logistic3A_7 : vector<1024x512xf32> to vector<1024x512xbf16>
    %get3A_8 = arith.constant 0 : index
    %get3A_9 = arith.constant 0 : index
    %get3A_10 = vector.load %arg4[%get3A_8, %get3A_9] : memref<400x512xf32, #tpu.memory_space<vmem>>, vector<400x512xf32>
    %convert_element_type3A_11 = arith.truncf %get3A_10 : vector<400x512xf32> to vector<400x512xbf16>
    %dot_general3A = arith.constant dense<0.000000e+00> : vector<1024x400xf32>
    %dot_general3A_12 = tpu.matmul %convert_element_type3A, %convert_element_type3A_11, %dot_general3A {dimension_numbers = #tpu.dot_dimension_numbers<[1], [1], [0], [0], [0, 0, 1, 0], [], []>, transpose_lhs_hint = false} : vector<1024x512xbf16>, vector<400x512xbf16>, vector<1024x400xf32> -> vector<1024x400xf32>
    %mul3A = arith.constant 128 : i32
    %mul3A_13 = arith.muli %arg0, %mul3A : i32
    %mul3A_14 = arith.constant 8 : i32
    %mul3A_15 = arith.muli %mul3A_13, %mul3A_14 : i32
    %swap3A = arith.index_cast %mul3A_15 : i32 to index
    %swap3A_16 = arith.constant 0 : index
    %swap3A_17 = vector.load %arg5[%swap3A, %swap3A_16] : memref<8192x400xf32, #tpu.memory_space<vmem>>, vector<1024x400xf32>
    tpu.vector_store %arg5[%swap3A, %swap3A_16], %dot_general3A_12 {strides = array<i32>} : memref<8192x400xf32, #tpu.memory_space<vmem>>, vector<1024x400xf32>,
    %reshape3A_18 = vector.shape_cast %dot_general3A_12 : vector<1024x400xf32> to vector<128x8x400xf32>
    %reduce_max3A = arith.constant dense<0xFF800000> : vector<128x8xf32>
    %reduce_max3A_19 = vector.multi_reduction <maximumf>, %reshape3A_18, %reduce_max3A [2] : vector<128x8x400xf32> to vector<128x8xf32>
    %transpose3A = tpu.transpose %reduce_max3A_19, [1, 0] : vector<128x8xf32> -> vector<8x128xf32>
    %iota3A = tpu.iota {dimensions = array<i32: 1>} : vector<8x128xi32>
    %mul3A_20 = arith.constant 128 : i32
    %mul3A_21 = arith.muli %arg0, %mul3A_20 : i32
    %add3A = vector.broadcast %mul3A_21 : i32 to vector<8x128xi32>
    %add3A_22 = arith.addi %iota3A, %add3A : vector<8x128xi32>
    %ge3A = arith.constant 900 : i32
    %ge3A_23 = vector.broadcast %ge3A : i32 to vector<8x128xi32>
    %ge3A_24 = arith.cmpi sge, %add3A_22, %ge3A_23 : vector<8x128xi32>
    %jit3A = arith.constant -1.000000e+00 : f32
    %broadcast_in_dim3A = vector.broadcast %jit3A : f32 to vector<8x128xf32>
    %select_n3A = arith.select %ge3A_24, %broadcast_in_dim3A, %transpose3A : vector<8x128xi1>, vector<8x128xf32>
    %mul3A_25 = arith.constant 128 : i32
    %mul3A_26 = arith.muli %arg0, %mul3A_25 : i32
    %swap3A_27 = arith.constant 0 : index
    %swap3A_28 = arith.index_cast %mul3A_26 : i32 to index
    %swap3A_29 = vector.load %arg6[%swap3A_27, %swap3A_28] : memref<8x1024xf32, #tpu.memory_space<vmem>>, vector<8x128xf32>
    tpu.vector_store %arg6[%swap3A_27, %swap3A_28], %select_n3A {strides = array<i32>} : memref<8x1024xf32, #tpu.memory_space<vmem>>, vector<8x128xf32>,
    %eq3A = arith.constant 0 : i32
    %eq3A_30 = arith.cmpi eq, %arg0, %eq3A : i32
    %convert_element_type3A_31 = arith.extui %eq3A_30 : i1 to i32
    %cond3A = arith.constant 0 : i32
    %cond3A_32 = arith.cmpi ne, %convert_element_type3A_31, %cond3A : i32
    scf.if %cond3A_32 {
      %get3A_33 = arith.constant 0 : index
      %get3A_34 = arith.constant 0 : index
      %get3A_35 = arith.constant 0 : index
      %get3A_36 = vector.load %arg2[%get3A_33, %get3A_34, %get3A_35] : memref<8x4x900xf32, #tpu.memory_space<vmem>>, vector<8x4x900xf32>
      %slice3A = vector.extract_strided_slice %get3A_36 {offsets = [0, 0, 0], sizes = [8, 2, 900], strides = [1, 1, 1]} : vector<8x4x900xf32> to vector<8x2x900xf32>
      %slice3A_37 = vector.extract_strided_slice %get3A_36 {offsets = [0, 2, 0], sizes = [8, 2, 900], strides = [1, 1, 1]} : vector<8x4x900xf32> to vector<8x2x900xf32>
      %mul3A_38 = arith.constant 5.000000e-01 : f32
      %mul3A_39 = vector.broadcast %mul3A_38 : f32 to vector<8x2x900xf32>
      %mul3A_40 = arith.mulf %slice3A_37, %mul3A_39 : vector<8x2x900xf32>
      %sub3A = arith.subf %slice3A, %mul3A_40 : vector<8x2x900xf32>
      %add3A_41 = arith.addf %slice3A, %mul3A_40 : vector<8x2x900xf32>
      %concatenate3A = tpu.concatenate %sub3A, %add3A_41 in 1 : vector<8x2x900xf32>, vector<8x2x900xf32> -> vector<8x4x900xf32>
      %get3A_42 = arith.constant 0 : index
      %get3A_43 = arith.constant 0 : index
      %get3A_44 = memref.load %arg3[%get3A_42, %get3A_43] : memref<8x2xf32, #tpu.memory_space<smem>>
      %get3A_45 = arith.constant 0 : index
      %get3A_46 = arith.constant 1 : index
      %get3A_47 = memref.load %arg3[%get3A_45, %get3A_46] : memref<8x2xf32, #tpu.memory_space<smem>>
      %broadcast_in_dim3A_48 = vector.broadcast %get3A_47 : f32 to vector<1x900xf32>
      %broadcast_in_dim3A_49 = vector.broadcast %get3A_44 : f32 to vector<1x900xf32>
      %concatenate3A_50 = tpu.concatenate %broadcast_in_dim3A_48, %broadcast_in_dim3A_49, %broadcast_in_dim3A_48, %broadcast_in_dim3A_49 in 0 : vector<1x900xf32>, vector<1x900xf32>, vector<1x900xf32>, vector<1x900xf32> -> vector<4x900xf32>
      %slice3A_51 = vector.extract_strided_slice %concatenate3A {offsets = [0, 0, 0], sizes = [1, 4, 900], strides = [1, 1, 1]} : vector<8x4x900xf32> to vector<1x4x900xf32>
      %squeeze3A = vector.shape_cast %slice3A_51 : vector<1x4x900xf32> to vector<4x900xf32>
      %mul3A_52 = arith.mulf %squeeze3A, %concatenate3A_50 : vector<4x900xf32>
      %swap3A_53 = arith.constant 0 : index
      %swap3A_54 = arith.constant 0 : index
      %swap3A_55 = arith.constant 0 : index
      %swap3A_56 = vector.load %arg7[%swap3A_53, %swap3A_54, %swap3A_55] : memref<8x4x900xf32, #tpu.memory_space<vmem>>, vector<1x4x900xf32>
      %swap3A_57 = vector.shape_cast %swap3A_56 : vector<1x4x900xf32> to vector<4x900xf32>
      %swap3A_58 = vector.shape_cast %mul3A_52 : vector<4x900xf32> to vector<1x4x900xf32>
      tpu.vector_store %arg7[%swap3A_53, %swap3A_54, %swap3A_55], %swap3A_58 {strides = array<i32>} : memref<8x4x900xf32, #tpu.memory_space<vmem>>, vector<1x4x900xf32>,
      %get3A_59 = arith.constant 1 : index
      %get3A_60 = arith.constant 0 : index
      %get3A_61 = memref.load %arg3[%get3A_59, %get3A_60] : memref<8x2xf32, #tpu.memory_space<smem>>
      %get3A_62 = arith.constant 1 : index
      %get3A_63 = arith.constant 1 : index
      %get3A_64 = memref.load %arg3[%get3A_62, %get3A_63] : memref<8x2xf32, #tpu.memory_space<smem>>
      %broadcast_in_dim3A_65 = vector.broadcast %get3A_64 : f32 to vector<1x900xf32>
      %broadcast_in_dim3A_66 = vector.broadcast %get3A_61 : f32 to vector<1x900xf32>
      %concatenate3A_67 = tpu.concatenate %broadcast_in_dim3A_65, %broadcast_in_dim3A_66, %broadcast_in_dim3A_65, %broadcast_in_dim3A_66 in 0 : vector<1x900xf32>, vector<1x900xf32>, vector<1x900xf32>, vector<1x900xf32> -> vector<4x900xf32>
      %slice3A_68 = vector.extract_strided_slice %concatenate3A {offsets = [1, 0, 0], sizes = [1, 4, 900], strides = [1, 1, 1]} : vector<8x4x900xf32> to vector<1x4x900xf32>
      %squeeze3A_69 = vector.shape_cast %slice3A_68 : vector<1x4x900xf32> to vector<4x900xf32>
      %mul3A_70 = arith.mulf %squeeze3A_69, %concatenate3A_67 : vector<4x900xf32>
      %swap3A_71 = arith.constant 1 : index
      %swap3A_72 = arith.constant 0 : index
      %swap3A_73 = arith.constant 0 : index
      %swap3A_74 = vector.load %arg7[%swap3A_71, %swap3A_72, %swap3A_73] : memref<8x4x900xf32, #tpu.memory_space<vmem>>, vector<1x4x900xf32>
      %swap3A_75 = vector.shape_cast %swap3A_74 : vector<1x4x900xf32> to vector<4x900xf32>
      %swap3A_76 = vector.shape_cast %mul3A_70 : vector<4x900xf32> to vector<1x4x900xf32>
      tpu.vector_store %arg7[%swap3A_71, %swap3A_72, %swap3A_73], %swap3A_76 {strides = array<i32>} : memref<8x4x900xf32, #tpu.memory_space<vmem>>, vector<1x4x900xf32>,
      %get3A_77 = arith.constant 2 : index
      %get3A_78 = arith.constant 0 : index
      %get3A_79 = memref.load %arg3[%get3A_77, %get3A_78] : memref<8x2xf32, #tpu.memory_space<smem>>
      %get3A_80 = arith.constant 2 : index
      %get3A_81 = arith.constant 1 : index
      %get3A_82 = memref.load %arg3[%get3A_80, %get3A_81] : memref<8x2xf32, #tpu.memory_space<smem>>
      %broadcast_in_dim3A_83 = vector.broadcast %get3A_82 : f32 to vector<1x900xf32>
      %broadcast_in_dim3A_84 = vector.broadcast %get3A_79 : f32 to vector<1x900xf32>
      %concatenate3A_85 = tpu.concatenate %broadcast_in_dim3A_83, %broadcast_in_dim3A_84, %broadcast_in_dim3A_83, %broadcast_in_dim3A_84 in 0 : vector<1x900xf32>, vector<1x900xf32>, vector<1x900xf32>, vector<1x900xf32> -> vector<4x900xf32>
      %slice3A_86 = vector.extract_strided_slice %concatenate3A {offsets = [2, 0, 0], sizes = [1, 4, 900], strides = [1, 1, 1]} : vector<8x4x900xf32> to vector<1x4x900xf32>
      %squeeze3A_87 = vector.shape_cast %slice3A_86 : vector<1x4x900xf32> to vector<4x900xf32>
      %mul3A_88 = arith.mulf %squeeze3A_87, %concatenate3A_85 : vector<4x900xf32>
      %swap3A_89 = arith.constant 2 : index
      %swap3A_90 = arith.constant 0 : index
      %swap3A_91 = arith.constant 0 : index
      %swap3A_92 = vector.load %arg7[%swap3A_89, %swap3A_90, %swap3A_91] : memref<8x4x900xf32, #tpu.memory_space<vmem>>, vector<1x4x900xf32>
      %swap3A_93 = vector.shape_cast %swap3A_92 : vector<1x4x900xf32> to vector<4x900xf32>
      %swap3A_94 = vector.shape_cast %mul3A_88 : vector<4x900xf32> to vector<1x4x900xf32>
      tpu.vector_store %arg7[%swap3A_89, %swap3A_90, %swap3A_91], %swap3A_94 {strides = array<i32>} : memref<8x4x900xf32, #tpu.memory_space<vmem>>, vector<1x4x900xf32>,
      %get3A_95 = arith.constant 3 : index
      %get3A_96 = arith.constant 0 : index
      %get3A_97 = memref.load %arg3[%get3A_95, %get3A_96] : memref<8x2xf32, #tpu.memory_space<smem>>
      %get3A_98 = arith.constant 3 : index
      %get3A_99 = arith.constant 1 : index
      %get3A_100 = memref.load %arg3[%get3A_98, %get3A_99] : memref<8x2xf32, #tpu.memory_space<smem>>
      %broadcast_in_dim3A_101 = vector.broadcast %get3A_100 : f32 to vector<1x900xf32>
      %broadcast_in_dim3A_102 = vector.broadcast %get3A_97 : f32 to vector<1x900xf32>
      %concatenate3A_103 = tpu.concatenate %broadcast_in_dim3A_101, %broadcast_in_dim3A_102, %broadcast_in_dim3A_101, %broadcast_in_dim3A_102 in 0 : vector<1x900xf32>, vector<1x900xf32>, vector<1x900xf32>, vector<1x900xf32> -> vector<4x900xf32>
      %slice3A_104 = vector.extract_strided_slice %concatenate3A {offsets = [3, 0, 0], sizes = [1, 4, 900], strides = [1, 1, 1]} : vector<8x4x900xf32> to vector<1x4x900xf32>
      %squeeze3A_105 = vector.shape_cast %slice3A_104 : vector<1x4x900xf32> to vector<4x900xf32>
      %mul3A_106 = arith.mulf %squeeze3A_105, %concatenate3A_103 : vector<4x900xf32>
      %swap3A_107 = arith.constant 3 : index
      %swap3A_108 = arith.constant 0 : index
      %swap3A_109 = arith.constant 0 : index
      %swap3A_110 = vector.load %arg7[%swap3A_107, %swap3A_108, %swap3A_109] : memref<8x4x900xf32, #tpu.memory_space<vmem>>, vector<1x4x900xf32>
      %swap3A_111 = vector.shape_cast %swap3A_110 : vector<1x4x900xf32> to vector<4x900xf32>
      %swap3A_112 = vector.shape_cast %mul3A_106 : vector<4x900xf32> to vector<1x4x900xf32>
      tpu.vector_store %arg7[%swap3A_107, %swap3A_108, %swap3A_109], %swap3A_112 {strides = array<i32>} : memref<8x4x900xf32, #tpu.memory_space<vmem>>, vector<1x4x900xf32>,
      %get3A_113 = arith.constant 4 : index
      %get3A_114 = arith.constant 0 : index
      %get3A_115 = memref.load %arg3[%get3A_113, %get3A_114] : memref<8x2xf32, #tpu.memory_space<smem>>
      %get3A_116 = arith.constant 4 : index
      %get3A_117 = arith.constant 1 : index
      %get3A_118 = memref.load %arg3[%get3A_116, %get3A_117] : memref<8x2xf32, #tpu.memory_space<smem>>
      %broadcast_in_dim3A_119 = vector.broadcast %get3A_118 : f32 to vector<1x900xf32>
      %broadcast_in_dim3A_120 = vector.broadcast %get3A_115 : f32 to vector<1x900xf32>
      %concatenate3A_121 = tpu.concatenate %broadcast_in_dim3A_119, %broadcast_in_dim3A_120, %broadcast_in_dim3A_119, %broadcast_in_dim3A_120 in 0 : vector<1x900xf32>, vector<1x900xf32>, vector<1x900xf32>, vector<1x900xf32> -> vector<4x900xf32>
      %slice3A_122 = vector.extract_strided_slice %concatenate3A {offsets = [4, 0, 0], sizes = [1, 4, 900], strides = [1, 1, 1]} : vector<8x4x900xf32> to vector<1x4x900xf32>
      %squeeze3A_123 = vector.shape_cast %slice3A_122 : vector<1x4x900xf32> to vector<4x900xf32>
      %mul3A_124 = arith.mulf %squeeze3A_123, %concatenate3A_121 : vector<4x900xf32>
      %swap3A_125 = arith.constant 4 : index
      %swap3A_126 = arith.constant 0 : index
      %swap3A_127 = arith.constant 0 : index
      %swap3A_128 = vector.load %arg7[%swap3A_125, %swap3A_126, %swap3A_127] : memref<8x4x900xf32, #tpu.memory_space<vmem>>, vector<1x4x900xf32>
      %swap3A_129 = vector.shape_cast %swap3A_128 : vector<1x4x900xf32> to vector<4x900xf32>
      %swap3A_130 = vector.shape_cast %mul3A_124 : vector<4x900xf32> to vector<1x4x900xf32>
      tpu.vector_store %arg7[%swap3A_125, %swap3A_126, %swap3A_127], %swap3A_130 {strides = array<i32>} : memref<8x4x900xf32, #tpu.memory_space<vmem>>, vector<1x4x900xf32>,
      %get3A_131 = arith.constant 5 : index
      %get3A_132 = arith.constant 0 : index
      %get3A_133 = memref.load %arg3[%get3A_131, %get3A_132] : memref<8x2xf32, #tpu.memory_space<smem>>
      %get3A_134 = arith.constant 5 : index
      %get3A_135 = arith.constant 1 : index
      %get3A_136 = memref.load %arg3[%get3A_134, %get3A_135] : memref<8x2xf32, #tpu.memory_space<smem>>
      %broadcast_in_dim3A_137 = vector.broadcast %get3A_136 : f32 to vector<1x900xf32>
      %broadcast_in_dim3A_138 = vector.broadcast %get3A_133 : f32 to vector<1x900xf32>
      %concatenate3A_139 = tpu.concatenate %broadcast_in_dim3A_137, %broadcast_in_dim3A_138, %broadcast_in_dim3A_137, %broadcast_in_dim3A_138 in 0 : vector<1x900xf32>, vector<1x900xf32>, vector<1x900xf32>, vector<1x900xf32> -> vector<4x900xf32>
      %slice3A_140 = vector.extract_strided_slice %concatenate3A {offsets = [5, 0, 0], sizes = [1, 4, 900], strides = [1, 1, 1]} : vector<8x4x900xf32> to vector<1x4x900xf32>
      %squeeze3A_141 = vector.shape_cast %slice3A_140 : vector<1x4x900xf32> to vector<4x900xf32>
      %mul3A_142 = arith.mulf %squeeze3A_141, %concatenate3A_139 : vector<4x900xf32>
      %swap3A_143 = arith.constant 5 : index
      %swap3A_144 = arith.constant 0 : index
      %swap3A_145 = arith.constant 0 : index
      %swap3A_146 = vector.load %arg7[%swap3A_143, %swap3A_144, %swap3A_145] : memref<8x4x900xf32, #tpu.memory_space<vmem>>, vector<1x4x900xf32>
      %swap3A_147 = vector.shape_cast %swap3A_146 : vector<1x4x900xf32> to vector<4x900xf32>
      %swap3A_148 = vector.shape_cast %mul3A_142 : vector<4x900xf32> to vector<1x4x900xf32>
      tpu.vector_store %arg7[%swap3A_143, %swap3A_144, %swap3A_145], %swap3A_148 {strides = array<i32>} : memref<8x4x900xf32, #tpu.memory_space<vmem>>, vector<1x4x900xf32>,
      %get3A_149 = arith.constant 6 : index
      %get3A_150 = arith.constant 0 : index
      %get3A_151 = memref.load %arg3[%get3A_149, %get3A_150] : memref<8x2xf32, #tpu.memory_space<smem>>
      %get3A_152 = arith.constant 6 : index
      %get3A_153 = arith.constant 1 : index
      %get3A_154 = memref.load %arg3[%get3A_152, %get3A_153] : memref<8x2xf32, #tpu.memory_space<smem>>
      %broadcast_in_dim3A_155 = vector.broadcast %get3A_154 : f32 to vector<1x900xf32>
      %broadcast_in_dim3A_156 = vector.broadcast %get3A_151 : f32 to vector<1x900xf32>
      %concatenate3A_157 = tpu.concatenate %broadcast_in_dim3A_155, %broadcast_in_dim3A_156, %broadcast_in_dim3A_155, %broadcast_in_dim3A_156 in 0 : vector<1x900xf32>, vector<1x900xf32>, vector<1x900xf32>, vector<1x900xf32> -> vector<4x900xf32>
      %slice3A_158 = vector.extract_strided_slice %concatenate3A {offsets = [6, 0, 0], sizes = [1, 4, 900], strides = [1, 1, 1]} : vector<8x4x900xf32> to vector<1x4x900xf32>
      %squeeze3A_159 = vector.shape_cast %slice3A_158 : vector<1x4x900xf32> to vector<4x900xf32>
      %mul3A_160 = arith.mulf %squeeze3A_159, %concatenate3A_157 : vector<4x900xf32>
      %swap3A_161 = arith.constant 6 : index
      %swap3A_162 = arith.constant 0 : index
      %swap3A_163 = arith.constant 0 : index
      %swap3A_164 = vector.load %arg7[%swap3A_161, %swap3A_162, %swap3A_163] : memref<8x4x900xf32, #tpu.memory_space<vmem>>, vector<1x4x900xf32>
      %swap3A_165 = vector.shape_cast %swap3A_164 : vector<1x4x900xf32> to vector<4x900xf32>
      %swap3A_166 = vector.shape_cast %mul3A_160 : vector<4x900xf32> to vector<1x4x900xf32>
      tpu.vector_store %arg7[%swap3A_161, %swap3A_162, %swap3A_163], %swap3A_166 {strides = array<i32>} : memref<8x4x900xf32, #tpu.memory_space<vmem>>, vector<1x4x900xf32>,
      %get3A_167 = arith.constant 7 : index
      %get3A_168 = arith.constant 0 : index
      %get3A_169 = memref.load %arg3[%get3A_167, %get3A_168] : memref<8x2xf32, #tpu.memory_space<smem>>
      %get3A_170 = arith.constant 7 : index
      %get3A_171 = arith.constant 1 : index
      %get3A_172 = memref.load %arg3[%get3A_170, %get3A_171] : memref<8x2xf32, #tpu.memory_space<smem>>
      %broadcast_in_dim3A_173 = vector.broadcast %get3A_172 : f32 to vector<1x900xf32>
      %broadcast_in_dim3A_174 = vector.broadcast %get3A_169 : f32 to vector<1x900xf32>
      %concatenate3A_175 = tpu.concatenate %broadcast_in_dim3A_173, %broadcast_in_dim3A_174, %broadcast_in_dim3A_173, %broadcast_in_dim3A_174 in 0 : vector<1x900xf32>, vector<1x900xf32>, vector<1x900xf32>, vector<1x900xf32> -> vector<4x900xf32>
      %slice3A_176 = vector.extract_strided_slice %concatenate3A {offsets = [7, 0, 0], sizes = [1, 4, 900], strides = [1, 1, 1]} : vector<8x4x900xf32> to vector<1x4x900xf32>
      %squeeze3A_177 = vector.shape_cast %slice3A_176 : vector<1x4x900xf32> to vector<4x900xf32>
      %mul3A_178 = arith.mulf %squeeze3A_177, %concatenate3A_175 : vector<4x900xf32>
      %swap3A_179 = arith.constant 7 : index
      %swap3A_180 = arith.constant 0 : index
      %swap3A_181 = arith.constant 0 : index
      %swap3A_182 = vector.load %arg7[%swap3A_179, %swap3A_180, %swap3A_181] : memref<8x4x900xf32, #tpu.memory_space<vmem>>, vector<1x4x900xf32>
      %swap3A_183 = vector.shape_cast %swap3A_182 : vector<1x4x900xf32> to vector<4x900xf32>
      %swap3A_184 = vector.shape_cast %mul3A_178 : vector<4x900xf32> to vector<1x4x900xf32>
      tpu.vector_store %arg7[%swap3A_179, %swap3A_180, %swap3A_181], %swap3A_184 {strides = array<i32>} : memref<8x4x900xf32, #tpu.memory_space<vmem>>, vector<1x4x900xf32>,
    } else {
    }
    return
  }
  func.func @transform_0(%arg0: i32) -> (i32, i32, i32) {
    %c0_i32 = arith.constant 0 : i32
    %c0_i32_0 = arith.constant 0 : i32
    %c0_i32_1 = arith.constant 0 : i32
    return %arg0, %c0_i32, %c0_i32_0 : i32, i32, i32
  }
  func.func @transform_1(%arg0: i32) -> (i32, i32, i32) {
    %c0_i32 = arith.constant 0 : i32
    %c0_i32_0 = arith.constant 0 : i32
    %c0_i32_1 = arith.constant 0 : i32
    %c0_i32_2 = arith.constant 0 : i32
    return %c0_i32, %c0_i32_0, %c0_i32_1 : i32, i32, i32
  }
  func.func @transform_2(%arg0: i32) -> (i32, i32) {
    %c0_i32 = arith.constant 0 : i32
    %c0_i32_0 = arith.constant 0 : i32
    %c0_i32_1 = arith.constant 0 : i32
    return %c0_i32, %c0_i32_0 : i32, i32
  }
  func.func @transform_3(%arg0: i32) -> (i32, i32) {
    %c0_i32 = arith.constant 0 : i32
    %c0_i32_0 = arith.constant 0 : i32
    %c0_i32_1 = arith.constant 0 : i32
    return %c0_i32, %c0_i32_0 : i32, i32
  }
  func.func @transform_4(%arg0: i32) -> (i32, i32) {
    %c0_i32 = arith.constant 0 : i32
    %c0_i32_0 = arith.constant 0 : i32
    %c0_i32_1 = arith.constant 0 : i32
    return %c0_i32, %c0_i32_0 : i32, i32
  }
  func.func @transform_5(%arg0: i32) -> (i32, i32) {
    %c0_i32 = arith.constant 0 : i32
    %c0_i32_0 = arith.constant 0 : i32
    %c0_i32_1 = arith.constant 0 : i32
    return %c0_i32, %c0_i32_0 : i32, i32
  }
  func.func @transform_6(%arg0: i32) -> (i32, i32, i32) {
    %c0_i32 = arith.constant 0 : i32
    %c0_i32_0 = arith.constant 0 : i32
    %c0_i32_1 = arith.constant 0 : i32
    %c0_i32_2 = arith.constant 0 : i32
    return %c0_i32, %c0_i32_0, %c0_i32_1 : i32, i32, i32
  }
}

</mosaic_0001>

<sc_bundles>
// kernel: kernel.5.cloned.1.call-start
scs
__scs_entry_jumppad:
0x0: {  	(pc) =	sbr.rel $0x88, $3  }
0x1: {  	(tag) =	ssettag $0x0;
	lr =	simm.s32 $0x1  }
0x2: {  	[smem:$0x3F9D] =	sst lr;
	_ =	strace $0xD0000000  }
0x3: {  	_ = 	snop  }
0x4: {  	_ = 	snop  }
0x5: {  	_ = 	snop  }
0x6: {  	_ = 	snop  }
0x7: {  	_ = 	snop  }
__scs_overlays_trampoline_lowered:
0x8: {  	[smem:$0x3FAC] =	sst s0  }
0x9: {  	[smem:$0x3FAD] =	sst s1  }
0xa: {  	[smem:$0x3FAE] =	sst s2  }
0xb: {  	[smem:$0x3FAF] =	sst s3  }
0xc: {  	[smem:$0x3FB0] =	sst s4  }
0xd: {  	[smem:$0x3FB1] =	sst s5  }
0xe: {  	[smem:$0x3FB2] =	sst s6  }
0xf: {  	[smem:$0x3FB3] =	sst s7  }
0x10: {  	[smem:$0x3FB4] =	sst s8  }
0x11: {  	[smem:$0x3FB5] =	sst s9;
	s0 =	simm.s32 @!p0 $0x0  }
0x12: {  	s1 =	sld [smem:$0x3F9B];
	s0 =	simm.s32 @p0 $0x1  }
0x13: {  	[smem:$0x3FB6] =	sst s0;
	s0 =	simm.s32 @!p1 $0x0  }
0x14: {  	s2 =	sld [smem:$0x3F9A];
	s0 =	simm.s32 @p1 $0x1  }
0x15: {  	[smem:$0x3FB7] =	sst s0;
	s0 =	simm.s32 @!p2 $0x0  }
0x16: {  	s3 =	sld [smem:$0x3FDB];
	s0 =	simm.s32 @p2 $0x1  }
0x17: {  	s4 =	simm.s32 $0x1BF5;
	[smem:$0x3FB9] =	sst s0  }
0x18: {  	s0 =	sld [smem:$0x3F9C];
	_ =	swait.ge [sflag:s4], $0x0  }
0x19: {  	s7 =	sld [smem:$0x3F9D]  }
0x1a: {  	s8 =	sadd.s32 $0xFFFFE003, lr  }
0x1b: {  	s9 =	sadd.s32 $0xFFFFFEF7, lr;
	s5 =	simm.s32 $0xFFFFFFFF;
	p2 =	slt.u32 s8, $0xFFFFF086  }
0x1c: {  	p1 =	slt.u32 s9, $0xF7A;
	s5 =	simm.s32 @!p2 $0x0  }
0x1d: {  	s5 =	simm.s32 @p1 $0x1;
	p0 =	seq.s32 s7, s2  }
0x1e: {  	s7 =	smul.u32 @!p0 $0xF7A, s2;
	p2 =	seq.s32 @!p0 s5, $0x0  }
0x1f: {  	s9 =	smul.u32 $0xF7A, s1;
	s8 =	simm.s32 @!p0 $0x1BF5;
	p2 =	por !p2, p0  }
0x20: {  	[sflag:s8] =	ssyncset.s32 @!p0 $0xFFFFF086;
	s6 =	sadd.s32 @!p0 s3, s7;
	s7 =	simm.s32 @!p0 $0x108  }
0x21: {  	s3 =	sadd.s32 s3, s9;
	s6 =	sadd.s32 @!p0 $0x88, s6;
	s7 =	simm.s32 @p2 $0x1082  }
0x22: {  	[simem:s7], [sflag:s8] =	dma.local @!p0 [hbm:s6], $0xF7A  }
0x23: {  	s9 =	sor.u32 $0xD0000000, s2;
	s6 =	simm.s32 $0x108;
	_ =	swait.ge @!p0 [sflag:s8], $0x0  }
0x24: {  	s3 =	sadd.s32 $0x88, s3;
	s6 =	simm.s32 @!p1 $0x1082;
	[sflag:s4] =	ssyncset.s32 $0xFFFFF086  }
0x25: {  	[simem:s6], [sflag:s4] =	dma.local [hbm:s3], $0xF7A  }
0x26: {  	[smem:$0x3F9D] =	sst s1;
	(tag) =	ssettag s2;
	_ =	strace s9  }
0x27: {  	s1 =	sld [smem:$0x3FAD]  }
0x28: {  	s2 =	sld [smem:$0x3FAE]  }
0x29: {  	s4 =	sld [smem:$0x3FB0]  }
0x2a: {  	p0 =	seq.s32 s5, $0x0;
	s5 =	sld [smem:$0x3FB1]  }
0x2b: {  	s6 =	sld [smem:$0x3FB2]  }
0x2c: {  	s7 =	sld [smem:$0x3FB3]  }
0x2d: {  	s3 =	simm.s32 $0x108;
	s8 =	sld [smem:$0x3FB4]  }
0x2e: {  	s3 =	simm.s32 @!p0 $0x1082;
	s9 =	sld [smem:$0x3FB5]  }
0x2f: {  	lr =	sadd.s32 s0, s3;
	s0 =	sld [smem:$0x3FAC]  }
0x30: {  	s3 =	sld [smem:$0x3FAF]  }
0x31: {  	[smem:$0x3FB8] =	sst s10  }
0x32: {  	s10 =	sld [smem:$0x3FB6];
	_ =	sdelay $0x3  }
0x33: {  	p0 =	seq.s32 s10, $0x1;
	s10 =	sld [smem:$0x3FB8];
	_ =	sdelay $0x3  }
0x34: {  	[smem:$0x3FB8] =	sst s10  }
0x35: {  	s10 =	sld [smem:$0x3FB7];
	_ =	sdelay $0x3  }
0x36: {  	p1 =	seq.s32 s10, $0x1;
	s10 =	sld [smem:$0x3FB8];
	_ =	sdelay $0x3  }
0x37: {  	[smem:$0x3FB8] =	sst s10  }
0x38: {  	s10 =	sld [smem:$0x3FB9]  }
0x39: {  	_ = 	snop;
	(pc) =	sbr.ind lr, $3  }
0x3a: {  	_ = 	snop  }
0x3b: {  	_ = 	snop  }
0x3c: {  	p2 =	seq.s32 s10, $0x1;
	s10 =	sld [smem:$0x3FB8]  }
0x3d: {  	_ =	shalt  }
0x3e: {  	_ =	shalt  }
0x3f: {  	_ =	shalt  }
0x40: {  	_ =	shalt  }
0x41: {  	_ =	shalt  }
0x42: {  	_ =	shalt  }
0x43: {  	_ =	shalt  }
0x44: {  	_ =	shalt  }
0x45: {  	_ =	shalt  }
0x46: {  	_ =	shalt  }
0x47: {  	_ =	shalt  }
0x48: {  	_ =	shalt  }
0x49: {  	_ =	shalt  }
0x4a: {  	_ =	shalt  }
0x4b: {  	_ =	shalt  }
0x4c: {  	_ =	shalt  }
0x4d: {  	_ =	shalt  }
0x4e: {  	_ =	shalt  }
0x4f: {  	_ =	shalt  }
0x50: {  	_ =	shalt  }
0x51: {  	_ =	shalt  }
0x52: {  	_ =	shalt  }
0x53: {  	_ =	shalt  }
0x54: {  	_ =	shalt  }
0x55: {  	_ =	shalt  }
0x56: {  	_ =	shalt  }
0x57: {  	_ =	shalt  }
0x58: {  	_ =	shalt  }
0x59: {  	_ =	shalt  }
0x5a: {  	_ =	shalt  }
0x5b: {  	_ =	shalt  }
0x5c: {  	_ =	shalt  }
0x5d: {  	_ =	shalt  }
0x5e: {  	_ =	shalt  }
0x5f: {  	_ =	shalt  }
0x60: {  	_ =	shalt  }
0x61: {  	_ =	shalt  }
0x62: {  	_ =	shalt  }
0x63: {  	_ =	shalt  }
0x64: {  	_ =	shalt  }
0x65: {  	_ =	shalt  }
0x66: {  	_ =	shalt  }
0x67: {  	_ =	shalt  }
0x68: {  	_ =	shalt  }
0x69: {  	_ =	shalt  }
0x6a: {  	_ =	shalt  }
0x6b: {  	_ =	shalt  }
0x6c: {  	_ =	shalt  }
0x6d: {  	_ =	shalt  }
0x6e: {  	_ =	shalt  }
0x6f: {  	_ =	shalt  }
0x70: {  	_ =	shalt  }
0x71: {  	_ =	shalt  }
0x72: {  	_ =	shalt  }
0x73: {  	_ =	shalt  }
0x74: {  	_ =	shalt  }
0x75: {  	_ =	shalt  }
0x76: {  	_ =	shalt  }
0x77: {  	_ =	shalt  }
0x78: {  	_ =	shalt  }
0x79: {  	_ =	shalt  }
0x7a: {  	_ =	shalt  }
0x7b: {  	_ =	shalt  }
0x7c: {  	_ =	shalt  }
0x7d: {  	_ =	shalt  }
0x7e: {  	_ =	shalt  }
0x7f: {  	_ =	shalt  }
0x80: {  	_ =	shalt  }
0x81: {  	_ =	shalt  }
0x82: {  	_ =	shalt  }
0x83: {  	_ =	shalt  }
0x84: {  	_ =	shalt  }
0x85: {  	_ =	shalt  }
0x86: {  	_ =	shalt  }
0x87: {  	_ =	shalt  }
.Lfunc_end0:
.L_simem_size_0:
called_computation_lowered:
.L_overlay_start_0:
0x88: {  	s2 =	sld [smem:$0x3FD9]  }
0x89: {  	s3 =	sld [smem:$0x3FFE];
	_ =	sdelay $0x1  }
0x8a: {  	s1 =	srdreg.scid  }
0x8b: {  	s0 =	sand.u32 $0x1, s1  }
0x8c: {  	s14 =	sshll.u32 s0, $0xA;
	s2 =	sadd.s32 s3, s2  }
0x8d: {  	s2 =	sadd.s32 s2, s14  }
0x8e: {  	[smem:$0x3FC4] =	sst s2  }
0x8f: {  	_ = 	snop  }
0x90: {  	s2 =	sld [smem:$0x3FD0];
	_ =	sdelay $0x2  }
0x91: {  	s15 =	simm.s32 $0xA;
	s4 =	simm.s32 $0x10  }
0x92: {  	[smem:s4], [sflag:s15] =	dma.local [hbm:s2], $0x1  }
0x93: {  	_ =	swait.eq [sflag:s15], $0x1  }
0x94: {  	s16 =	sld [smem:$0x10];
	[sflag:s15] =	ssyncset.done $0x0  }
0x95: {  	s17 =	sld [smem:$0x11];
	[sflag:s15] =	ssyncadd.s32 $0xFFFFFFFF  }
0x96: {  	s18 =	sld [smem:$0x12];
	(tm) =	ssettm $0x1  }
0x97: {  	s5 =	sld [smem:$0x3FFB];
	_ =	sdelay $0x3  }
0x98: {  	_ =	strace s5  }
0x99: {  	s5 =	sld [smem:$0x3FFC];
	_ =	sdelay $0x3  }
0x9a: {  	_ =	strace s5  }
0x9b: {  	s5 =	sld [smem:$0x3FFD];
	_ =	sdelay $0x3  }
0x9c: {  	_ =	strace s5  }
0x9d: {  	_ =	strace $0x8FFFFFFF  }
0x9e: {  	s19 =	sld [smem:$0x3FDB];
	_ =	sdelay $0x1  }
0x9f: {  	s6 =	simm.s32 $_scs_section_size  }
0xa0: {  	s7 =	simm.s32 $_size__tile_overlayer_lowered;
	s8 =	simm.s32 $_tile_overlayer_lowered  }
0xa1: {  	s22 =	simm.s32 $0x1BFF;
	s21 =	sshll.u32 s8, $0x1;
	s5 =	sadd.s32 s6, s19  }
0xa2: {  	s9 =	simm.s32 $0x0;
	s20 =	sshll.u32 s7, $0x1;
	s7 =	sadd.s32 s21, s5  }
0xa3: {  	[timem:s9], [sflag:s22] =	dma.local [hbm:s7], s20  }
0xa4: {  	_ =	swait.ge [sflag:s22], s20  }
0xa5: {  	s6 =	ssub.s32 $0x0, s20;
	[sflag:s22] =	ssyncset.done $0x0  }
0xa6: {  	[sflag:s22] =	ssyncadd.s32 s6;
	_ =	sdelay $0x1  }
0xa7: {  	s23 =	simm.s32 $0x1B8B  }
0xa8: {  	_ =	swait.ge [sflag:s23], $0x1  }
0xa9: {  	[sflag:s23] =	ssyncset.done $0x0  }
0xaa: {  	s25 =	simm.s32 $0x1B8E;
	s24 =	sld [smem:$0x3FFE];
	[sflag:s23] =	ssyncadd.s32 $0xFFFFFFFF  }
0xab: {  	s26 =	simm.s32 $execute0_lowered;
	[smem:$0x3FD2] =	sst s25  }
0xac: {  	s7 =	sshll.u32 s26, $0x1;
	_ =	strace $0x80000046;
	[dreg:$0x1] =	wrdreg $0xFFFFFFFF  }
0xad: {  	s28 =	simm.s32 $_size_execute0_lowered;
	s5 =	sadd.s32 s5, s7;
	[dreg:$0x0] =	wrdreg $0x0  }
0xae: {  	s7 =	sshll.u32 s28, $0x1;
	[dreg:$0x2] =	wrdreg s5  }
0xaf: {  	[dreg:$0x3] =	wrdreg s7  }
0xb0: {  	[dreg:$0x4] =	wrdreg $0xC0  }
0xb1: {  	_ =	task [dreg:s9], $0x5FFFF  }
0xb2: {  	[dreg:$0x1] =	wrdreg $0xFFFFFFFF  }
0xb3: {  	[dreg:$0x0] =	wrdreg $0x60  }
0xb4: {  	[dreg:$0x2] =	wrdreg s24  }
0xb5: {  	[dreg:$0x3] =	wrdreg s16  }
0xb6: {  	[dreg:$0x4] =	wrdreg s17  }
0xb7: {  	[dreg:$0x5] =	wrdreg s18  }
0xb8: {  	[dreg:$0x6] =	wrdreg $0x9  }
0xb9: {  	_ =	task.clear_ibuf [dreg:s9], $0x7FFFF;
	_ =	strace $0x90000046  }
0xba: {  	s29 =	simm.s32 $0x9;
	_ =	strace $0x80000048  }
0xbb: {  	_ =	swait.ge [sflag:s29], $0x1  }
0xbc: {  	[sflag:s29] =	ssyncadd.s32 $0xFFFFFFFF  }
0xbd: {  	_ =	strace $0x90000048  }
0xbe: {  	_ =	sfence  }
0xbf: {  	s30 =	sld [smem:$0x0];
	_ =	sdelay $0x2  }
0xc0: {  	s31 =	sshll.u32 s1, $0xD;
	s1 =	sshrl.u32 s1, $0x2  }
0xc1: {  	s3 =	sand.u32 $0x4000, s31;
	s1 =	sadd.s32 s1, s30  }
0xc2: {  	s0 =	sor.u32 s3, s0;
	s1 =	sshll.u32 s1, $0x11  }
0xc3: {  	s0 =	sor.u32 s1, s0  }
0xc4: {  	s0 =	sadd.s32 $0x8F2B, s0  }
0xc5: {  	[sflag:s0] =	ssyncadd.remote.s32 $0x1  }
0xc6: {  	_ =	sfence.sel $0xFFFF  }
0xc7: {  	[dreg:$0x0] =	wrdreg $0xFFFFFFFF;
	(pc) =	sbr.abs _section_cstart, $3  }
0xc8: {  	[dreg:$0x1] =	wrdreg $0xFFFFFFFF  }
0xc9: {  	_ =	task.clear_ibuf [dreg:s9], $0x2FFFF;
	_ =	strace $0x9FFFFFFF  }
0xca: {  	(tm) =	ssettm $0x7FFFFFFF  }
0xcb: {  	_ =	shalt  }
tec
execute0_lowered:
.L_overlay_start_1:
0x0: {  	(tag) =	ssettag $0x1  }
0x1: {  	s0 =	stileid.u32  }
0x2: {  	p0 =	sgt.u32 s0, $0x3  }
.Ltmp0:
0x3: {  	s8 =	rddreg [dreg:$0x0];
	(pc) =	sbr.rel @p0 .LBB2_14-.Ltmp0, $4  }
0x4: {  	s5 =	rddreg [dreg:$0x1]  }
0x5: {  	s6 =	rddreg [dreg:$0x2];
	s2 =	simm.s32 $0x0  }
0x6: {  	[smem:$0x7FF] =	sst s2  }
0x7: {  	s7 =	rddreg [dreg:$0x3];
	_ =	strace $0x80000047  }
0x8: {  	v0 =	vimm.f32 $1.500000000e+01;
	vm0 =	vcmask $0x300  }
0x9: {  	vm14 =	vcmask $0x704;
	v0 =	vsel vm0, $0x0, v0  }
0xa: {  	vm15 =	vcmask $0xB08;
	v0 =	vsel vm14, $0x3F800000, v0  }
0xb: {  	vm4 =	vcmask $0xF0C;
	v0 =	vsel vm15, $0x40000000, v0  }
0xc: {  	vm5 =	vcmask $0x1310;
	v0 =	vsel vm4, $0x40400000, v0  }
0xd: {  	vm6 =	vcmask $0x1714;
	v0 =	vsel vm5, $0x40800000, v0  }
0xe: {  	vm7 =	vcmask $0x1B18;
	v0 =	vsel vm6, $0x40A00000, v0  }
0xf: {  	s3 =	srdreg.scid;
	vm8 =	vcmask $0x1F1C;
	v0 =	vsel vm7, $0x40C00000, v0  }
0x10: {  	vm9 =	vcmask $0x2320;
	s0 =	stileid.u32;
	s28 =	sadd.s32 $0x81400, s8;
	s9 =	sand.u32 $0x1, s3;
	v0 =	vsel vm8, $0x40E00000, v0  }
0x11: {  	vm10 =	vcmask $0x2724;
	s12 =	simm.s32 $0x1;
	s4 =	sshll.u32 s0, $0x8;
	s10 =	sshll.u32 s9, $0x7;
	v0 =	vsel vm9, $0x41000000, v0  }
0x12: {  	vm11 =	vcmask $0x2B28;
	s13 =	simm.s32 $0x480;
	s9 =	ssub.s32 $0x2, s9;
	s4 =	sor.u32 s10, s4;
	v0 =	vsel vm10, $0x41100000, v0  }
0x13: {  	vm12 =	vcmask $0x2F2C;
	s17 =	simm.s32 $0x0;
	s11 =	sshrl.u32 s9, $0x1;
	s10 =	sshrl.u32 s4, $0x3;
	v0 =	vsel vm11, $0x41200000, v0  }
0x14: {  	vm13 =	vcmask $0x3330;
	s3 =	sadd.s32 $0x1400, s8;
	s9 =	ssub.s32 s9, s11;
	s29 =	sadd.s32 s5, s10;
	v0 =	vsel vm12, $0x41300000, v0  }
0x15: {  	v1 =	vlaneseq.u32;
	vm14 =	vcmask $0x3734;
	s11 =	simm.s32 $0x400;
	s30 =	sadd.s32 s6, s10;
	[dreg:$0x6] =	wrdreg s29;
	v0 =	vsel vm13, $0x41400000, v0  }
0x16: {  	v2 =	vor.u32 $0x30, v1;
	vm15 =	vcmask $0x3B38;
	s31 =	sadd.s32 s7, s10;
	s8 =	sadd.s32 s28, s10;
	[dreg:$0x7] =	wrdreg s30;
	v0 =	vsel vm14, $0x41500000, v0  }
0x17: {  	v3 =	vor.u32 $0x20, v1;
	v4 =	vor.u32 $0x10, v1;
	s9 =	smax.u32 s9, $0x1;
	s10 =	simm.s32 $0x80;
	[dreg:$0x8] =	wrdreg s31;
	v0 =	vsel vm15, $0x41600000, v0  }
.LBB2_2:
0x18: {  	s19 =	simm.s32 $0x0  }
0x19: {  	[tilespmem:s19], [sflag:$0x1] =	stream.strided.gather [hbm4b:s8+s10], $0x400, s11, s10, $0x38;
	[tilespmem:$0x800] =	vst v63  }
0x1a: {  	_ =	swait.ge [sflag:s12], $0x400  }
0x1b: {  	[sflag:s12] =	ssyncset.done $0x0  }
0x1c: {  	s20 =	simm.s32 $0x0;
	[sflag:s12] =	ssyncadd.s32 $0xFFFFFC00  }
.LBB2_3:
0x1d: {  	s18 =	sshll.u32 s20, $0x8  }
0x1e: {  	s18 =	sand.u32 $0x3FFFFF00, s18  }
0x1f: {  	[dreg:$0x5] =	wrdreg s18  }
0x20: {  	s21 =	sand.u32 $0x80, s19;
	s18 =	rddreg [dreg:$0x5]  }
0x21: {  	s22 =	sand.u32 $0x70, s19;
	s18 =	sadd.s32 s21, s18  }
0x22: {  	s18 =	sadd.s32 s22, s18  }
0x23: {  	v5 =	vld [tilespmem:s18+$0x0];
	_ =	sdelay $0x4  }
0x24: {  	(v2sf) =	vpush v5, $0xF  }
0x25: {  	(v2sf) =	vpush v5, $0xE  }
0x26: {  	(v2sf) =	vpush v5, $0xD  }
0x27: {  	(v2sf) =	vpush v5, $0xC  }
0x28: {  	(v2sf) =	vpush v5, $0xB  }
0x29: {  	(v2sf) =	vpush v5, $0xA  }
0x2a: {  	(v2sf) =	vpush v5, $0x9  }
0x2b: {  	(v2sf) =	vpush v5, $0x8  }
0x2c: {  	s18 =	simm.s32 $0x10;
	(v2sf) =	vpush v5, $0x7  }
0x2d: {  	s5 =	rddreg [dreg:$0x5];
	s6 =	sand.u32 $0x80, s18  }
0x2e: {  	s23 =	sand.u32 $0x70, s18;
	s21 =	sadd.s32 s6, s5;
	(v2sf) =	vpush v5, $0x4  }
0x2f: {  	s21 =	sadd.s32 s23, s21;
	(v2sf) =	vpush v5, $0x6  }
0x30: {  	v8 =	vld [tilespmem:s21+$0x0];
	(v2sf) =	vpush v5, $0x3  }
0x31: {  	(v2sf) =	vpush v5, $0x2  }
0x32: {  	(v2sf) =	vpush v5, $0x1  }
0x33: {  	(v2sf) =	vpush v5, $0x5;
	s7 =	spop (v2sf)  }
0x34: {  	(v2sf) =	vpush v5, $0x0;
	s14 =	spop (v2sf)  }
0x35: {  	s15 =	simm.s32 $0x1;
	s24 =	scvt.s32.f32 s19;
	(v2sf) =	vpush v8, $0xF;
	s25 =	spop (v2sf)  }
0x36: {  	s26 =	scvt.s32.f32 s15;
	(v2sf) =	vpush v8, $0xE;
	s16 =	spop (v2sf)  }
0x37: {  	s21 =	smax.f32 s14, s7;
	(v2sf) =	vpush v8, $0xD;
	s28 =	spop (v2sf)  }
0x38: {  	s25 =	smax.f32 s16, s25;
	(v2sf) =	vpush v8, $0xC;
	s29 =	spop (v2sf)  }
0x39: {  	(v2sf) =	vpush v8, $0xB;
	s21 =	smax.f32 s25, s21;
	s30 =	spop (v2sf)  }
0x3a: {  	v6 =	vimm.f32 $-3.000000000e+00;
	s23 =	smax.f32 s29, s28;
	(v2sf) =	vpush v8, $0xA;
	s31 =	spop (v2sf)  }
0x3b: {  	v7 =	vmov s24;
	v5 =	vmov s26;
	s25 =	simm.s32 $0x2;
	(v2sf) =	vpush v8, $0x9;
	s24 =	smax.f32 s31, s30;
	s26 =	spop (v2sf)  }
.LBB2_4:
0x3c: {  	s28 =	rddreg [dreg:$0x5];
	s30 =	smov.u32 s25  }
0x3d: {  	(v2sf) =	vpush v8, $0x8;
	s18 =	sadd.s32 $0x10, s18;
	s29 =	spop (v2sf);
	s30 =	scvt.s32.f32 s30  }
0x3e: {  	(v2sf) =	vpush v8, $0x7;
	s0 =	sand.u32 $0x80, s18;
	s1 =	sand.u32 $0x70, s18;
	s31 =	spop (v2sf)  }
0x3f: {  	s0 =	sadd.s32 s0, s28;
	s26 =	smax.f32 s31, s26;
	s7 =	spop (v2sf)  }
0x40: {  	(v2sf) =	vpush v8, $0x4;
	v9 =	vmov s30;
	s0 =	sadd.s32 s1, s0;
	s30 =	smax.f32 s24, s23;
	s14 =	spop (v2sf)  }
0x41: {  	(v2sf) =	vpush v8, $0x6;
	v10 =	vld [tilespmem:s0+$0x0];
	s0 =	smax.f32 s30, s21;
	s16 =	spop (v2sf)  }
0x42: {  	(v2sf) =	vpush v8, $0x3;
	s15 =	smax.f32 s14, s7;
	s31 =	spop (v2sf)  }
0x43: {  	(v2sf) =	vpush v8, $0x2;
	s23 =	smax.f32 s29, s31;
	s5 =	spop (v2sf)  }
0x44: {  	(v2sf) =	vpush v8, $0x1;
	s24 =	smax.f32 s5, s16;
	s23 =	smax.f32 s23, s26  }
0x45: {  	(v2sf) =	vpush v8, $0x5;
	s6 =	spop (v2sf);
	s1 =	smax.f32 s24, s15  }
0x46: {  	(v2sf) =	vpush v8, $0x0;
	s7 =	spop (v2sf);
	s1 =	smax.f32 s1, s23  }
0x47: {  	(v2sf) =	vpush v10, $0xF;
	v8 =	vmov v10;
	s14 =	spop (v2sf);
	s28 =	smax.f32 s7, s6  }
0x48: {  	p0 =	sne.s32 s25, $0xF;
	(v2sf) =	vpush v8, $0xE;
	s15 =	spop (v2sf);
	s0 =	smax.f32 s1, s0  }
.Ltmp1:
0x49: {  	(v2sf) =	vpush v8, $0xD;
	s26 =	spop (v2sf);
	(pc) =	sbr.rel @p0 .LBB2_4-.Ltmp1, $4  }
0x4a: {  	s16 =	smax.f32 s15, s14;
	(v2sf) =	vpush v8, $0xC;
	s29 =	spop (v2sf)  }
0x4b: {  	(v2sf) =	vpush v8, $0xB;
	s21 =	smax.f32 s16, s28;
	s30 =	spop (v2sf)  }
0x4c: {  	s22 =	sadd.s32 $0x1, s25;
	vm0 =	veq.f32 v7, v0;
	s23 =	smax.f32 s29, s26;
	(v2sf) =	vpush v8, $0xA;
	s31 =	spop (v2sf)  }
0x4d: {  	v7 =	vmovc v5;
	s25 =	smov.u32 s22;
	v5 =	vmov v9;
	v6 =	vsel vm0, s0, v6;
	(v2sf) =	vpush v8, $0x9;
	s24 =	smax.f32 s31, s30;
	s26 =	spop (v2sf)  }
0x4e: {  	(v2sf) =	vpush v8, $0x8  }
0x4f: {  	s0 =	spop (v2sf);
	(v2sf) =	vpush v8, $0x7  }
0x50: {  	s1 =	spop (v2sf);
	(v2sf) =	vpush v8, $0x4  }
0x51: {  	s18 =	spop (v2sf);
	(v2sf) =	vpush v8, $0x6  }
0x52: {  	s23 =	smax.f32 s24, s23;
	s22 =	spop (v2sf);
	(v2sf) =	vpush v8, $0x3  }
0x53: {  	s21 =	smax.f32 s23, s21;
	s25 =	spop (v2sf);
	(v2sf) =	vpush v8, $0x2  }
0x54: {  	s1 =	smax.f32 s1, s26;
	s31 =	spop (v2sf);
	(v2sf) =	vpush v8, $0x1  }
0x55: {  	s18 =	smax.f32 s22, s18;
	s5 =	spop (v2sf);
	(v2sf) =	vpush v8, $0x5  }
0x56: {  	s0 =	smax.f32 s0, s31;
	(v2sf) =	vpush v8, $0x0;
	s6 =	spop (v2sf)  }
0x57: {  	s22 =	smax.f32 s5, s25;
	s7 =	spop (v2sf)  }
0x58: {  	s0 =	smax.f32 s0, s1;
	s14 =	spop (v2sf)  }
0x59: {  	s18 =	smax.f32 s22, s18;
	s15 =	spop (v2sf)  }
0x5a: {  	s0 =	smax.f32 s18, s0;
	s16 =	spop (v2sf)  }
0x5b: {  	s24 =	smax.f32 s7, s6;
	s28 =	spop (v2sf)  }
0x5c: {  	s0 =	smax.f32 s0, s21;
	s29 =	spop (v2sf)  }
0x5d: {  	s1 =	smax.f32 s15, s14;
	s30 =	spop (v2sf)  }
0x5e: {  	s1 =	smax.f32 s1, s24;
	s31 =	spop (v2sf)  }
0x5f: {  	s18 =	smax.f32 s28, s16;
	s5 =	spop (v2sf)  }
0x60: {  	s21 =	smax.f32 s30, s29;
	s6 =	spop (v2sf)  }
0x61: {  	s18 =	smax.f32 s21, s18;
	s7 =	spop (v2sf)  }
0x62: {  	s1 =	smax.f32 s18, s1;
	s14 =	spop (v2sf)  }
0x63: {  	s22 =	smax.f32 s6, s31;
	s15 =	spop (v2sf)  }
0x64: {  	s29 =	sshll.u32 s20, $0x4;
	s23 =	smax.f32 s14, s7;
	s16 =	spop (v2sf)  }
0x65: {  	s20 =	sadd.s32 $0x1, s20;
	s28 =	spop (v2sf);
	s24 =	smax.f32 s5, s16  }
0x66: {  	p0 =	sne.s32 s20, $0x4;
	s21 =	smax.f32 s28, s15;
	s22 =	smax.f32 s24, s22  }
.Ltmp2:
0x67: {  	s21 =	smax.f32 s21, s23;
	(pc) =	sbr.rel @p0 .LBB2_3-.Ltmp2, $4  }
.Ltmp3:
0x68: {  	vm0 =	veq.f32 v7, v0;
	s21 =	smax.f32 s21, s22;
	(pc) =	sbr.rel @!p0 .LBB2_6-.Ltmp3, $4  }
0x69: {  	vm15 =	veq.f32 v5, v0;
	v6 =	vsel vm0, s0, v6;
	s30 =	smax.f32 s21, s1  }
0x6a: {  	s31 =	sand.u32 $0x3FFFFFF0, s29;
	v5 =	vsel vm15, s30, v6  }
0x6b: {  	s18 =	simm.s32 $0x0;
	[tilespmem:s31+$0x400] =	vst v5  }
0x6c: {  	_ = 	snop  }
.LBB2_9:
0x6d: {  	s21 =	sadd.s32 $0x1, s21  }
0x6e: {  	p0 =	sne.s32 s18, s21  }
.Ltmp4:
0x6f: {  	_ = 	snop;
	(pc) =	sbr.rel @!p0 .LBB2_10-.Ltmp4, $1  }
0x70: {  	_ =	sdelay $0x3  }
.LBB2_7:
0x71: {  	s22 =	sand.u32 $0x7FFFFFF0, s21  }
0x72: {  	v6 =	vld [tilespmem:s22+$0x780];
	_ =	sdelay $0x2  }
0x73: {  	v5 =	vor.u32 s22, v1  }
0x74: {  	vm0 =	veq.s32 v5, s21  }
0x75: {  	v6 =	vnsel vm0, $0xC0000000, v6  }
0x76: {  	(v2sf) =	vpush v6, $0x0  }
0x77: {  	(v2sf) =	vpush v6, $0x1  }
0x78: {  	(v2sf) =	vpush v6, $0x2  }
0x79: {  	(v2sf) =	vpush v6, $0x3  }
0x7a: {  	(v2sf) =	vpush v6, $0x4  }
0x7b: {  	(v2sf) =	vpush v6, $0x5  }
0x7c: {  	(v2sf) =	vpush v6, $0x6  }
0x7d: {  	(v2sf) =	vpush v6, $0x7  }
0x7e: {  	(v2sf) =	vpush v6, $0x8  }
0x7f: {  	(v2sf) =	vpush v6, $0x9  }
0x80: {  	(v2sf) =	vpush v6, $0xA  }
0x81: {  	(v2sf) =	vpush v6, $0xB  }
0x82: {  	(v2sf) =	vpush v6, $0xC  }
0x83: {  	(v2sf) =	vpush v6, $0xD  }
0x84: {  	(v2sf) =	vpush v6, $0xE  }
0x85: {  	s0 =	spop (v2sf);
	(v2sf) =	vpush v6, $0xF  }
0x86: {  	s1 =	spop (v2sf)  }
0x87: {  	s14 =	spop (v2sf)  }
0x88: {  	s15 =	spop (v2sf)  }
0x89: {  	s16 =	spop (v2sf)  }
0x8a: {  	s23 =	spop (v2sf)  }
0x8b: {  	s24 =	spop (v2sf)  }
0x8c: {  	s25 =	spop (v2sf)  }
0x8d: {  	s26 =	spop (v2sf)  }
0x8e: {  	p0 =	sgt.s32 s0, s1;
	s28 =	spop (v2sf)  }
0x8f: {  	s1 =	smov.u32 @p0 s0;
	p0 =	sgt.s32 s14, s15;
	s29 =	spop (v2sf)  }
0x90: {  	s15 =	smov.u32 @p0 s14;
	p1 =	sgt.s32 s16, s23;
	s30 =	spop (v2sf)  }
0x91: {  	s23 =	smov.u32 @p1 s16;
	p0 =	sgt.s32 s24, s25;
	s31 =	spop (v2sf)  }
0x92: {  	s25 =	smov.u32 @p0 s24;
	p0 =	sgt.s32 s26, s28;
	s5 =	spop (v2sf)  }
0x93: {  	s28 =	smov.u32 @p0 s26;
	p1 =	sgt.s32 s29, s30;
	s6 =	spop (v2sf)  }
0x94: {  	s30 =	smov.u32 @p1 s29;
	p0 =	sgt.s32 s31, s5;
	s7 =	spop (v2sf)  }
0x95: {  	p1 =	sgt.s32 s1, s15;
	s5 =	smov.u32 @p0 s31;
	p0 =	sgt.s32 s6, s7  }
0x96: {  	s15 =	smov.u32 @p1 s1;
	s7 =	smov.u32 @p0 s6;
	p0 =	sgt.s32 s23, s25  }
0x97: {  	s25 =	smov.u32 @p0 s23;
	p0 =	sgt.s32 s28, s30;
	p1 =	sgt.s32 s5, s7  }
0x98: {  	s30 =	smov.u32 @p0 s28;
	s7 =	smov.u32 @p1 s5  }
0x99: {  	p0 =	sgt.s32 s15, s25;
	p1 =	sgt.s32 s30, s7  }
0x9a: {  	s25 =	smov.u32 @p0 s15;
	s7 =	smov.u32 @p1 s30  }
0x9b: {  	p0 =	sgt.s32 s25, s7  }
0x9c: {  	s7 =	smov.u32 @p0 s25  }
0x9d: {  	p0 =	sne.s32 s7, s19  }
.Ltmp5:
0x9e: {  	_ = 	snop;
	(pc) =	sbr.rel @p0 .LBB2_9-.Ltmp5, $1  }
0x9f: {  	_ =	sdelay $0x3  }
0xa0: {  	v6 =	vld [tilespmem:s22+$0x700];
	_ =	sdelay $0x2  }
0xa1: {  	v7 =	vmov s21  }
0xa2: {  	vm0 =	veq.s32 v5, v7  }
0xa3: {  	v5 =	vnsel vm0, $0xC0000000, v6  }
0xa4: {  	(v2sf) =	vpush v5, $0x0  }
0xa5: {  	(v2sf) =	vpush v5, $0x1  }
0xa6: {  	(v2sf) =	vpush v5, $0x2  }
0xa7: {  	(v2sf) =	vpush v5, $0x3  }
0xa8: {  	(v2sf) =	vpush v5, $0x4  }
0xa9: {  	(v2sf) =	vpush v5, $0x5  }
0xaa: {  	(v2sf) =	vpush v5, $0x6  }
0xab: {  	(v2sf) =	vpush v5, $0x7  }
0xac: {  	(v2sf) =	vpush v5, $0x8  }
0xad: {  	(v2sf) =	vpush v5, $0x9  }
0xae: {  	(v2sf) =	vpush v5, $0xA  }
0xaf: {  	(v2sf) =	vpush v5, $0xB  }
0xb0: {  	(v2sf) =	vpush v5, $0xC  }
0xb1: {  	(v2sf) =	vpush v5, $0xD  }
0xb2: {  	(v2sf) =	vpush v5, $0xE  }
0xb3: {  	s0 =	spop (v2sf);
	(v2sf) =	vpush v5, $0xF  }
0xb4: {  	s1 =	spop (v2sf)  }
0xb5: {  	s5 =	spop (v2sf)  }
0xb6: {  	s6 =	spop (v2sf)  }
0xb7: {  	s7 =	spop (v2sf)  }
0xb8: {  	s14 =	spop (v2sf)  }
0xb9: {  	s15 =	spop (v2sf)  }
0xba: {  	s16 =	spop (v2sf)  }
0xbb: {  	s22 =	spop (v2sf)  }
0xbc: {  	p0 =	sgt.s32 s0, s1;
	s23 =	spop (v2sf)  }
0xbd: {  	s1 =	smov.u32 @p0 s0;
	p0 =	sgt.s32 s5, s6;
	s24 =	spop (v2sf)  }
0xbe: {  	s6 =	smov.u32 @p0 s5;
	p1 =	sgt.s32 s7, s14;
	s25 =	spop (v2sf)  }
0xbf: {  	s14 =	smov.u32 @p1 s7;
	p0 =	sgt.s32 s15, s16;
	s26 =	spop (v2sf)  }
0xc0: {  	s16 =	smov.u32 @p0 s15;
	p0 =	sgt.s32 s22, s23;
	s28 =	spop (v2sf)  }
0xc1: {  	s23 =	smov.u32 @p0 s22;
	p1 =	sgt.s32 s24, s25;
	s29 =	spop (v2sf)  }
0xc2: {  	s25 =	smov.u32 @p1 s24;
	p0 =	sgt.s32 s26, s28;
	s30 =	spop (v2sf)  }
0xc3: {  	p1 =	sgt.s32 s1, s6;
	s28 =	smov.u32 @p0 s26;
	p0 =	sgt.s32 s29, s30  }
0xc4: {  	s6 =	smov.u32 @p1 s1;
	s30 =	smov.u32 @p0 s29;
	p0 =	sgt.s32 s14, s16  }
0xc5: {  	s16 =	smov.u32 @p0 s14;
	p0 =	sgt.s32 s23, s25;
	p1 =	sgt.s32 s28, s30  }
0xc6: {  	s25 =	smov.u32 @p0 s23;
	s30 =	smov.u32 @p1 s28  }
0xc7: {  	p0 =	sgt.s32 s6, s16;
	p1 =	sgt.s32 s25, s30  }
0xc8: {  	s16 =	smov.u32 @p0 s6;
	s30 =	smov.u32 @p1 s25  }
0xc9: {  	p0 =	sgt.s32 s16, s30  }
0xca: {  	s30 =	smov.u32 @p0 s16  }
0xcb: {  	s28 =	sand.u32 $0xF, s30  }
0xcc: {  	s29 =	sshra.s32 s30, $0x1F;
	p0 =	slt.s32 s30, $0x1;
	p6 =	sne.s32 s28, $0x0  }
0xcd: {  	s31 =	sshrl.u32 s29, $0x1C;
	p0 =	por !p0, !p6  }
0xce: {  	s1 =	simm.s32 $0x1;
	s0 =	sadd.s32 s31, s30;
	p0 =	por !p0, !p0  }
0xcf: {  	s0 =	sshrl.u32 s0, $0x4;
	s1 =	simm.s32 @!p0 $0x0  }
0xd0: {  	s0 =	ssub.s32 s0, s1  }
0xd1: {  	s0 =	sshll.u32 s0, $0x4  }
0xd2: {  	v5 =	vld [tilespmem:s0+$0x480];
	_ =	sdelay $0x1  }
.Ltmp6:
0xd3: {  	_ = 	snop;
	(pc) =	sbr.rel .LBB2_9-.Ltmp6, $4  }
0xd4: {  	v6 =	vor.u32 s0, v1  }
0xd5: {  	vm15 =	veq.s32 v6, s30  }
0xd6: {  	v5 =	vsel vm15, $0xBF800000, v5  }
0xd7: {  	[tilespmem:s0+$0x480] =	vst v5  }
.LBB2_6:
0xd8: {  	v5 =	vld [tilespmem:$0x400]  }
0xd9: {  	v6 =	vld [tilespmem:$0x410]  }
0xda: {  	v7 =	vld [tilespmem:$0x420]  }
0xdb: {  	v8 =	vld [tilespmem:$0x430];
	_ =	sdelay $0x1  }
0xdc: {  	v9 =	vmax.f32 v5, $-3.000000000e+00  }
0xdd: {  	v9 =	vmax.f32 v9, v6  }
0xde: {  	v9 =	vmax.f32 v9, v7  }
0xdf: {  	v9 =	vmax.f32 v9, v8  }
0xe0: {  	(v2sf) =	vpush v9, $0x0  }
0xe1: {  	(v2sf) =	vpush v9, $0x1  }
0xe2: {  	(v2sf) =	vpush v9, $0x2  }
0xe3: {  	(v2sf) =	vpush v9, $0x3  }
0xe4: {  	(v2sf) =	vpush v9, $0x4  }
0xe5: {  	(v2sf) =	vpush v9, $0x5  }
0xe6: {  	(v2sf) =	vpush v9, $0x6  }
0xe7: {  	(v2sf) =	vpush v9, $0x7  }
0xe8: {  	(v2sf) =	vpush v9, $0x8  }
0xe9: {  	(v2sf) =	vpush v9, $0x9  }
0xea: {  	(v2sf) =	vpush v9, $0xA  }
0xeb: {  	(v2sf) =	vpush v9, $0xB  }
0xec: {  	(v2sf) =	vpush v9, $0xC  }
0xed: {  	(v2sf) =	vpush v9, $0xD  }
0xee: {  	(v2sf) =	vpush v9, $0xE  }
0xef: {  	s0 =	spop (v2sf);
	(v2sf) =	vpush v9, $0xF  }
0xf0: {  	s1 =	spop (v2sf)  }
0xf1: {  	s19 =	spop (v2sf)  }
0xf2: {  	s20 =	spop (v2sf)  }
0xf3: {  	s21 =	spop (v2sf)  }
0xf4: {  	s22 =	spop (v2sf)  }
0xf5: {  	s23 =	spop (v2sf)  }
0xf6: {  	s24 =	spop (v2sf)  }
0xf7: {  	s0 =	smax.f32 s0, s1;
	s25 =	spop (v2sf)  }
0xf8: {  	s20 =	smax.f32 s19, s20;
	s26 =	spop (v2sf)  }
0xf9: {  	s0 =	smax.f32 s0, s20;
	s28 =	spop (v2sf)  }
0xfa: {  	s22 =	smax.f32 s21, s22;
	s29 =	spop (v2sf)  }
0xfb: {  	s24 =	smax.f32 s23, s24;
	s30 =	spop (v2sf)  }
0xfc: {  	s25 =	smax.f32 s25, s26;
	s31 =	spop (v2sf)  }
0xfd: {  	s26 =	smax.f32 s28, s29;
	s14 =	spop (v2sf)  }
0xfe: {  	s29 =	smax.f32 s22, s24;
	s15 =	spop (v2sf)  }
0xff: {  	s28 =	smax.f32 s30, s31;
	s14 =	smax.f32 s14, s15  }
0x100: {  	s30 =	smax.f32 s25, s26;
	s14 =	smax.f32 s28, s14  }
0x101: {  	s0 =	smax.f32 s0, s29;
	s31 =	smax.f32 s30, s14  }
0x102: {  	s20 =	smax.f32 s0, s31  }
0x103: {  	vm0 =	veq.f32 v8, s20  }
0x104: {  	vm1 =	veq.f32 v7, s20;
	v7 =	vnsel vm0, $0x40000000, v2  }
0x105: {  	vm13 =	veq.f32 v6, s20;
	v6 =	vsel vm1, v3, v7  }
0x106: {  	vm14 =	veq.f32 v5, s20;
	v5 =	vsel vm13, v4, v6  }
0x107: {  	v5 =	vsel vm14, v1, v5  }
0x108: {  	(v2sf) =	vpush v5, $0x0  }
0x109: {  	(v2sf) =	vpush v5, $0x1  }
0x10a: {  	(v2sf) =	vpush v5, $0x2  }
0x10b: {  	(v2sf) =	vpush v5, $0x3  }
0x10c: {  	(v2sf) =	vpush v5, $0x4  }
0x10d: {  	(v2sf) =	vpush v5, $0x5  }
0x10e: {  	(v2sf) =	vpush v5, $0x6  }
0x10f: {  	(v2sf) =	vpush v5, $0x7  }
0x110: {  	(v2sf) =	vpush v5, $0x8  }
0x111: {  	(v2sf) =	vpush v5, $0x9  }
0x112: {  	(v2sf) =	vpush v5, $0xA  }
0x113: {  	(v2sf) =	vpush v5, $0xB  }
0x114: {  	(v2sf) =	vpush v5, $0xC  }
0x115: {  	(v2sf) =	vpush v5, $0xD  }
0x116: {  	(v2sf) =	vpush v5, $0xE  }
0x117: {  	s0 =	spop (v2sf);
	(v2sf) =	vpush v5, $0xF  }
0x118: {  	s1 =	spop (v2sf)  }
0x119: {  	s14 =	spop (v2sf)  }
0x11a: {  	s15 =	spop (v2sf)  }
0x11b: {  	s19 =	spop (v2sf)  }
0x11c: {  	s21 =	spop (v2sf)  }
0x11d: {  	s22 =	spop (v2sf)  }
0x11e: {  	s23 =	spop (v2sf)  }
0x11f: {  	s24 =	spop (v2sf)  }
0x120: {  	s25 =	spop (v2sf)  }
0x121: {  	s26 =	spop (v2sf)  }
0x122: {  	s28 =	spop (v2sf)  }
0x123: {  	s0 =	smin.u32 s0, s1;
	s1 =	smin.u32 s14, s15;
	s5 =	spop (v2sf)  }
0x124: {  	p0 =	slt.s32 s0, s1;
	s14 =	smin.u32 s19, s21;
	s6 =	spop (v2sf)  }
0x125: {  	s1 =	smov.u32 @p0 s0;
	s15 =	smin.u32 s22, s23;
	s7 =	spop (v2sf)  }
0x126: {  	p0 =	slt.s32 s14, s15;
	s19 =	smin.u32 s24, s25;
	s16 =	spop (v2sf)  }
0x127: {  	s21 =	smin.u32 s26, s28;
	s22 =	smin.u32 s5, s6;
	s16 =	smin.u32 s7, s16  }
0x128: {  	s15 =	smov.u32 @p0 s14;
	p0 =	slt.s32 s19, s21;
	p1 =	slt.s32 s22, s16  }
0x129: {  	s21 =	smov.u32 @p0 s19;
	s16 =	smov.u32 @p1 s22  }
0x12a: {  	p0 =	slt.s32 s1, s15;
	p1 =	slt.s32 s21, s16  }
0x12b: {  	s15 =	smov.u32 @p0 s1;
	s16 =	smov.u32 @p1 s21  }
0x12c: {  	p0 =	slt.s32 s15, s16  }
0x12d: {  	s16 =	smov.u32 @p0 s15  }
0x12e: {  	s30 =	sshll.u32 s16, $0x4  }
0x12f: {  	v5 =	vld [tilespmem:s30+$0x0];
	_ =	sdelay $0x4  }
0x130: {  	vm15 =	veq.f32 v5, s20;
	v5 =	vor.u32 s30, v1  }
0x131: {  	v5 =	vnsel vm15, $0x40000000, v5  }
0x132: {  	(v2sf) =	vpush v5, $0x0  }
0x133: {  	(v2sf) =	vpush v5, $0x1  }
0x134: {  	(v2sf) =	vpush v5, $0x2  }
0x135: {  	(v2sf) =	vpush v5, $0x3  }
0x136: {  	(v2sf) =	vpush v5, $0x4  }
0x137: {  	(v2sf) =	vpush v5, $0x5  }
0x138: {  	(v2sf) =	vpush v5, $0x6  }
0x139: {  	(v2sf) =	vpush v5, $0x7  }
0x13a: {  	(v2sf) =	vpush v5, $0x8  }
0x13b: {  	(v2sf) =	vpush v5, $0x9  }
0x13c: {  	(v2sf) =	vpush v5, $0xA  }
0x13d: {  	(v2sf) =	vpush v5, $0xB  }
0x13e: {  	(v2sf) =	vpush v5, $0xC  }
0x13f: {  	(v2sf) =	vpush v5, $0xD  }
0x140: {  	(v2sf) =	vpush v5, $0xE  }
0x141: {  	s0 =	spop (v2sf);
	(v2sf) =	vpush v5, $0xF  }
0x142: {  	s1 =	spop (v2sf)  }
0x143: {  	s14 =	spop (v2sf)  }
0x144: {  	s15 =	spop (v2sf)  }
0x145: {  	s16 =	spop (v2sf)  }
0x146: {  	s21 =	spop (v2sf)  }
0x147: {  	s22 =	spop (v2sf)  }
0x148: {  	s23 =	spop (v2sf)  }
0x149: {  	s24 =	spop (v2sf)  }
0x14a: {  	p0 =	slt.s32 s0, s1;
	s25 =	spop (v2sf)  }
0x14b: {  	s1 =	smov.u32 @p0 s0;
	p0 =	slt.s32 s14, s15;
	s26 =	spop (v2sf)  }
0x14c: {  	s15 =	smov.u32 @p0 s14;
	p1 =	slt.s32 s16, s21;
	s28 =	spop (v2sf)  }
0x14d: {  	s21 =	smov.u32 @p1 s16;
	p0 =	slt.s32 s22, s23;
	s29 =	spop (v2sf)  }
0x14e: {  	s23 =	smov.u32 @p0 s22;
	p0 =	slt.s32 s24, s25;
	s30 =	spop (v2sf)  }
0x14f: {  	s25 =	smov.u32 @p0 s24;
	p1 =	slt.s32 s26, s28;
	s31 =	spop (v2sf)  }
0x150: {  	s28 =	smov.u32 @p1 s26;
	p0 =	slt.s32 s29, s30;
	s19 =	spop (v2sf)  }
0x151: {  	p1 =	slt.s32 s1, s15;
	s30 =	smov.u32 @p0 s29;
	p0 =	slt.s32 s31, s19  }
0x152: {  	s15 =	smov.u32 @p1 s1;
	s19 =	smov.u32 @p0 s31;
	p0 =	slt.s32 s21, s23  }
0x153: {  	s23 =	smov.u32 @p0 s21;
	p0 =	slt.s32 s25, s28;
	p1 =	slt.s32 s30, s19  }
0x154: {  	s28 =	smov.u32 @p0 s25;
	s19 =	smov.u32 @p1 s30  }
0x155: {  	p0 =	slt.s32 s15, s23;
	p1 =	slt.s32 s28, s19  }
0x156: {  	s23 =	smov.u32 @p0 s15;
	s19 =	smov.u32 @p1 s28  }
0x157: {  	p0 =	slt.s32 s23, s19  }
0x158: {  	s19 =	smov.u32 @p0 s23  }
0x159: {  	s31 =	sshll.u32 s19, $0xC  }
0x15a: {  	s0 =	sor.u32 s4, s31  }
0x15b: {  	p0 =	seq.s32 s18, $0x0;
	s0 =	sshrl.u32 s0, $0x3  }
.Ltmp7:
0x15c: {  	s0 =	sadd.s32 s3, s0;
	(pc) =	sbr.rel @!p0 .LBB2_7-.Ltmp7, $4  }
0x15d: {  	[tilespmem:s13], [sflag:$0x1] =	stream.strided.gather [hbm4b:s0+s10], $0x200, s11, s10, $0x38;
	[tilespmem:$0x800] =	vst v63  }
0x15e: {  	_ =	swait.ge [sflag:s12], $0x200  }
0x15f: {  	[sflag:s12] =	ssyncset.done $0x0  }
0x160: {  	s21 =	simm.s32 $0x0;
	[sflag:s12] =	ssyncadd.s32 $0xFFFFFE00  }
.LBB2_10:
0x161: {  	s0 =	simm.s32 $0x480  }
0x162: {  	v7 =	vld [tilespmem:s0+$0x0];
	_ =	sdelay $0x3  }
0x163: {  	v5 =	vmov s20;
	s31 =	simm.s32 $0x0  }
0x164: {  	v6 =	vimm.s32 $0x40000000;
	s20 =	simm.s32 $0x10;
	s21 =	simm.s32 $0x490;
	vm0 =	veq.f32 v7, v5;
	v7 =	vor.u32 s31, v1  }
.LBB2_11:
0x165: {  	v8 =	vld [tilespmem:s21+$0x0];
	p0 =	sne.s32 s20, $0x180;
	v7 =	vnsel vm0, $0x40000000, v7;
	s0 =	smov.u32 s20;
	s20 =	sadd.s32 $0x10, s20  }
.Ltmp8:
0x166: {  	vm0 =	vlt.s32 v6, v7;
	(pc) =	sbr.rel @p0 .LBB2_11-.Ltmp8, $2  }
0x167: {  	v6 =	vsel vm0, v6, v7;
	_ =	sdelay $0x2  }
0x168: {  	s21 =	sadd.s32 $0x10, s21;
	v7 =	vor.u32 s0, v1;
	vm0 =	veq.f32 v8, v5  }
0x169: {  	v7 =	vnsel vm0, $0x40000000, v7  }
0x16a: {  	vm0 =	vlt.s32 v6, v7  }
0x16b: {  	v6 =	vsel vm0, v6, v7  }
0x16c: {  	(v2sf) =	vpush v6, $0x0  }
0x16d: {  	(v2sf) =	vpush v6, $0x1  }
0x16e: {  	(v2sf) =	vpush v6, $0x2  }
0x16f: {  	(v2sf) =	vpush v6, $0x3  }
0x170: {  	(v2sf) =	vpush v6, $0x4  }
0x171: {  	(v2sf) =	vpush v6, $0x5  }
0x172: {  	(v2sf) =	vpush v6, $0x6  }
0x173: {  	(v2sf) =	vpush v6, $0x7  }
0x174: {  	(v2sf) =	vpush v6, $0x8  }
0x175: {  	(v2sf) =	vpush v6, $0x9  }
0x176: {  	(v2sf) =	vpush v6, $0xA  }
0x177: {  	(v2sf) =	vpush v6, $0xB  }
0x178: {  	(v2sf) =	vpush v6, $0xC  }
0x179: {  	(v2sf) =	vpush v6, $0xD  }
0x17a: {  	(v2sf) =	vpush v6, $0xE  }
0x17b: {  	s0 =	spop (v2sf);
	(v2sf) =	vpush v6, $0xF  }
0x17c: {  	s1 =	spop (v2sf)  }
0x17d: {  	s5 =	spop (v2sf)  }
0x17e: {  	s6 =	spop (v2sf)  }
0x17f: {  	s7 =	spop (v2sf)  }
0x180: {  	s14 =	spop (v2sf)  }
0x181: {  	s15 =	spop (v2sf)  }
0x182: {  	s16 =	spop (v2sf)  }
0x183: {  	s21 =	spop (v2sf)  }
0x184: {  	p0 =	slt.s32 s0, s1;
	s22 =	spop (v2sf)  }
0x185: {  	s1 =	smov.u32 @p0 s0;
	p0 =	slt.s32 s5, s6;
	s23 =	spop (v2sf)  }
0x186: {  	s6 =	smov.u32 @p0 s5;
	p1 =	slt.s32 s7, s14;
	s24 =	spop (v2sf)  }
0x187: {  	s14 =	smov.u32 @p1 s7;
	p0 =	slt.s32 s15, s16;
	s25 =	spop (v2sf)  }
0x188: {  	s16 =	smov.u32 @p0 s15;
	p0 =	slt.s32 s21, s22;
	s26 =	spop (v2sf)  }
0x189: {  	s22 =	smov.u32 @p0 s21;
	p1 =	slt.s32 s23, s24;
	s28 =	spop (v2sf)  }
0x18a: {  	s24 =	smov.u32 @p1 s23;
	p0 =	slt.s32 s25, s26;
	s20 =	spop (v2sf)  }
0x18b: {  	p1 =	slt.s32 s1, s6;
	s26 =	smov.u32 @p0 s25;
	p0 =	slt.s32 s28, s20  }
0x18c: {  	s6 =	smov.u32 @p1 s1;
	s20 =	smov.u32 @p0 s28;
	p0 =	slt.s32 s14, s16  }
0x18d: {  	s16 =	smov.u32 @p0 s14;
	p0 =	slt.s32 s22, s24;
	p1 =	slt.s32 s26, s20  }
0x18e: {  	s24 =	smov.u32 @p0 s22;
	s20 =	smov.u32 @p1 s26  }
0x18f: {  	p0 =	slt.s32 s6, s16;
	p1 =	slt.s32 s24, s20  }
0x190: {  	s16 =	smov.u32 @p0 s6;
	s20 =	smov.u32 @p1 s24  }
0x191: {  	p0 =	slt.s32 s16, s20  }
0x192: {  	s20 =	smov.u32 @p0 s16  }
0x193: {  	s28 =	sand.u32 $0xF, s20  }
0x194: {  	s29 =	sshra.s32 s20, $0x1F;
	p0 =	slt.s32 s20, $0x1;
	p2 =	sne.s32 s28, $0x0  }
0x195: {  	s30 =	sshrl.u32 s29, $0x1C;
	p0 =	por !p0, !p2  }
0x196: {  	s1 =	simm.s32 $0x1;
	s0 =	sadd.s32 s30, s20;
	p0 =	por !p0, !p0  }
0x197: {  	s0 =	sshrl.u32 s0, $0x4;
	s1 =	simm.s32 @!p0 $0x0  }
0x198: {  	s0 =	ssub.s32 s0, s1  }
0x199: {  	s0 =	sshll.u32 s0, $0x4  }
0x19a: {  	v6 =	vld [tilespmem:s0+$0x480];
	_ =	sdelay $0x2  }
0x19b: {  	v7 =	vor.u32 s0, v1  }
0x19c: {  	vm12 =	veq.s32 v7, s20  }
0x19d: {  	v6 =	vsel vm12, $0xBF800000, v6  }
0x19e: {  	[tilespmem:s0+$0x480] =	vst v6  }
0x19f: {  	v6 =	vld [tilespmem:$0x480]  }
0x1a0: {  	v7 =	vld [tilespmem:$0x490]  }
0x1a1: {  	v8 =	vld [tilespmem:$0x4A0]  }
0x1a2: {  	v9 =	vld [tilespmem:$0x4B0]  }
0x1a3: {  	v10 =	vld [tilespmem:$0x4C0]  }
0x1a4: {  	v11 =	vld [tilespmem:$0x4D0];
	v6 =	vmax.f32 v6, $-1.000000000e+00  }
0x1a5: {  	v6 =	vmax.f32 v6, v7;
	v7 =	vld [tilespmem:$0x4E0]  }
0x1a6: {  	v47 =	vld [tilespmem:$0x4F0];
	v6 =	vmax.f32 v6, v8  }
0x1a7: {  	v48 =	vld [tilespmem:$0x500];
	v6 =	vmax.f32 v6, v9  }
0x1a8: {  	v49 =	vld [tilespmem:$0x510];
	v6 =	vmax.f32 v6, v10  }
0x1a9: {  	v50 =	vld [tilespmem:$0x520];
	v6 =	vmax.f32 v6, v11  }
0x1aa: {  	v6 =	vmax.f32 v6, v7;
	v7 =	vld [tilespmem:$0x530]  }
0x1ab: {  	v51 =	vld [tilespmem:$0x540];
	v6 =	vmax.f32 v6, v47  }
0x1ac: {  	v52 =	vld [tilespmem:$0x550];
	v6 =	vmax.f32 v6, v48  }
0x1ad: {  	v53 =	vld [tilespmem:$0x560];
	v6 =	vmax.f32 v6, v49  }
0x1ae: {  	v54 =	vld [tilespmem:$0x570];
	v6 =	vmax.f32 v6, v50  }
0x1af: {  	v6 =	vmax.f32 v6, v7;
	v7 =	vld [tilespmem:$0x580]  }
0x1b0: {  	v55 =	vld [tilespmem:$0x590];
	v6 =	vmax.f32 v6, v51  }
0x1b1: {  	v56 =	vld [tilespmem:$0x5A0];
	v6 =	vmax.f32 v6, v52  }
0x1b2: {  	v57 =	vld [tilespmem:$0x5B0];
	v6 =	vmax.f32 v6, v53  }
0x1b3: {  	v58 =	vld [tilespmem:$0x5C0];
	v6 =	vmax.f32 v6, v54  }
0x1b4: {  	v6 =	vmax.f32 v6, v7;
	v7 =	vld [tilespmem:$0x5D0]  }
0x1b5: {  	v59 =	vld [tilespmem:$0x5E0];
	v6 =	vmax.f32 v6, v55  }
0x1b6: {  	v60 =	vld [tilespmem:$0x5F0];
	v6 =	vmax.f32 v6, v56  }
0x1b7: {  	v61 =	vld [tilespmem:$0x600];
	v6 =	vmax.f32 v6, v57  }
0x1b8: {  	v6 =	vmax.f32 v6, v58  }
0x1b9: {  	v6 =	vmax.f32 v6, v7  }
0x1ba: {  	v6 =	vmax.f32 v6, v59  }
0x1bb: {  	v6 =	vmax.f32 v6, v60  }
0x1bc: {  	v6 =	vmax.f32 v6, v61  }
0x1bd: {  	(v2sf) =	vpush v6, $0x0  }
0x1be: {  	(v2sf) =	vpush v6, $0x1  }
0x1bf: {  	(v2sf) =	vpush v6, $0x2  }
0x1c0: {  	(v2sf) =	vpush v6, $0x3  }
0x1c1: {  	(v2sf) =	vpush v6, $0x4  }
0x1c2: {  	(v2sf) =	vpush v6, $0x5  }
0x1c3: {  	(v2sf) =	vpush v6, $0x6  }
0x1c4: {  	(v2sf) =	vpush v6, $0x7  }
0x1c5: {  	(v2sf) =	vpush v6, $0x8  }
0x1c6: {  	(v2sf) =	vpush v6, $0x9  }
0x1c7: {  	(v2sf) =	vpush v6, $0xA  }
0x1c8: {  	(v2sf) =	vpush v6, $0xB  }
0x1c9: {  	(v2sf) =	vpush v6, $0xC  }
0x1ca: {  	(v2sf) =	vpush v6, $0xD  }
0x1cb: {  	(v2sf) =	vpush v6, $0xE  }
0x1cc: {  	s0 =	spop (v2sf);
	(v2sf) =	vpush v6, $0xF  }
0x1cd: {  	s1 =	spop (v2sf)  }
0x1ce: {  	s5 =	spop (v2sf)  }
0x1cf: {  	s6 =	spop (v2sf)  }
0x1d0: {  	s7 =	spop (v2sf)  }
0x1d1: {  	s31 =	sand.u32 $0xF, s19;
	p4 =	slt.s32 s19, $0x1;
	s14 =	spop (v2sf)  }
0x1d2: {  	p3 =	sne.s32 s31, $0x0;
	s31 =	sshra.s32 s19, $0x1F;
	s15 =	spop (v2sf)  }
0x1d3: {  	s31 =	sshrl.u32 s31, $0x1C;
	s21 =	simm.s32 $0x1;
	s16 =	spop (v2sf)  }
0x1d4: {  	p0 =	por !p4, !p3;
	s0 =	smax.f32 s0, s1;
	s22 =	spop (v2sf)  }
0x1d5: {  	p0 =	por !p0, !p0;
	s5 =	smax.f32 s5, s6;
	s23 =	spop (v2sf)  }
0x1d6: {  	s21 =	simm.s32 @!p0 $0x0;
	s0 =	smax.f32 s0, s5;
	s24 =	spop (v2sf)  }
0x1d7: {  	s1 =	sadd.s32 s31, s19;
	s14 =	smax.f32 s7, s14;
	s25 =	spop (v2sf)  }
0x1d8: {  	s1 =	sshra.s32 s1, $0x4;
	s16 =	smax.f32 s15, s16;
	s26 =	spop (v2sf)  }
0x1d9: {  	s21 =	ssub.s32 s1, s21;
	s23 =	smax.f32 s22, s23;
	s28 =	spop (v2sf)  }
0x1da: {  	s15 =	sshll.u32 s21, $0x4;
	s25 =	smax.f32 s24, s25;
	s29 =	spop (v2sf)  }
0x1db: {  	v6 =	vld [tilespmem:s15+$0x0];
	s1 =	smax.f32 s23, s25;
	s30 =	spop (v2sf)  }
0x1dc: {  	s28 =	smax.f32 s26, s28;
	s29 =	smax.f32 s29, s30  }
0x1dd: {  	s30 =	smax.f32 s14, s16;
	s31 =	smax.f32 s28, s29  }
0x1de: {  	v7 =	vor.u32 s15, v1;
	s0 =	smax.f32 s0, s30;
	s1 =	smax.f32 s1, s31  }
0x1df: {  	vm13 =	veq.s32 v7, s19;
	s0 =	smax.f32 s0, s1  }
0x1e0: {  	v6 =	vsel vm13, s0, v6  }
0x1e1: {  	(v2sf) =	vpush v6, $0x0  }
0x1e2: {  	(v2sf) =	vpush v6, $0x1  }
0x1e3: {  	(v2sf) =	vpush v6, $0x2  }
0x1e4: {  	(v2sf) =	vpush v6, $0x3  }
0x1e5: {  	(v2sf) =	vpush v6, $0x4  }
0x1e6: {  	(v2sf) =	vpush v6, $0x5  }
0x1e7: {  	(v2sf) =	vpush v6, $0x6  }
0x1e8: {  	(v2sf) =	vpush v6, $0x7  }
0x1e9: {  	(v2sf) =	vpush v6, $0x8  }
0x1ea: {  	(v2sf) =	vpush v6, $0x9  }
0x1eb: {  	(v2sf) =	vpush v6, $0xA  }
0x1ec: {  	(v2sf) =	vpush v6, $0xB  }
0x1ed: {  	(v2sf) =	vpush v6, $0xC  }
0x1ee: {  	(v2sf) =	vpush v6, $0xD  }
0x1ef: {  	(v2sf) =	vpush v6, $0xE  }
0x1f0: {  	s1 =	spop (v2sf);
	(v2sf) =	vpush v6, $0xF  }
0x1f1: {  	s30 =	spop (v2sf)  }
0x1f2: {  	s5 =	spop (v2sf)  }
0x1f3: {  	s6 =	spop (v2sf)  }
0x1f4: {  	s7 =	spop (v2sf)  }
0x1f5: {  	s31 =	sand.u32 $0xF, s21;
	s14 =	spop (v2sf)  }
0x1f6: {  	p5 =	slt.s32 s21, $0x1;
	p6 =	sne.s32 s31, $0x0;
	s16 =	spop (v2sf)  }
0x1f7: {  	p0 =	por !p5, !p6;
	s0 =	smax.f32 s1, s30;
	s22 =	spop (v2sf)  }
0x1f8: {  	s1 =	smax.f32 s5, s6;
	s6 =	sshrl.u32 s21, $0x1C;
	s23 =	spop (v2sf)  }
0x1f9: {  	p0 =	por !p0, !p0;
	s5 =	sadd.s32 s6, s21;
	s24 =	spop (v2sf)  }
0x1fa: {  	s6 =	simm.s32 $0x1;
	s0 =	smax.f32 s0, s1;
	s25 =	spop (v2sf)  }
0x1fb: {  	s7 =	smax.f32 s7, s14;
	s5 =	sshrl.u32 s5, $0x4;
	s26 =	spop (v2sf)  }
0x1fc: {  	s6 =	simm.s32 @!p0 $0x0;
	s16 =	smax.f32 s16, s22;
	s28 =	spop (v2sf)  }
0x1fd: {  	s5 =	ssub.s32 s5, s6;
	s24 =	smax.f32 s23, s24;
	s29 =	spop (v2sf)  }
0x1fe: {  	[tilespmem:s15+$0x0] =	vst v6;
	s5 =	sshll.u32 s5, $0x4;
	s25 =	smax.f32 s25, s26;
	s30 =	spop (v2sf)  }
0x1ff: {  	v6 =	vld [tilespmem:s5+$0x400];
	s6 =	smax.f32 s24, s25;
	s31 =	spop (v2sf)  }
0x200: {  	s26 =	smax.f32 s28, s29;
	s14 =	smax.f32 s30, s31  }
0x201: {  	s28 =	smax.f32 s7, s16;
	s29 =	smax.f32 s26, s14  }
0x202: {  	v7 =	vor.u32 s5, v1;
	s0 =	smax.f32 s0, s28;
	s30 =	smax.f32 s6, s29  }
0x203: {  	vm14 =	veq.s32 v7, s21;
	s0 =	smax.f32 s0, s30  }
0x204: {  	v6 =	vsel vm14, s0, v6  }
0x205: {  	s31 =	sand.u32 $0x30, s18;
	[tilespmem:s5+$0x400] =	vst v6  }
0x206: {  	v6 =	vld [tilespmem:s31+$0x680]  }
0x207: {  	v63 =	vor.u32 s31, v1;
	v7 =	vld [tilespmem:s31+$0x700]  }
0x208: {  	vm15 =	veq.s32 v63, s18;
	s18 =	sadd.s32 $0x1, s18;
	v62 =	vld [tilespmem:s31+$0x780]  }
0x209: {  	p0 =	sne.s32 s18, $0x32  }
.Ltmp9:
0x20a: {  	_ = 	snop;
	(pc) =	sbr.rel @p0 .LBB2_6-.Ltmp9, $4  }
0x20b: {  	v5 =	vsel vm15, v5, v6  }
0x20c: {  	[tilespmem:s31+$0x680] =	vst v5;
	v5 =	vsel vm15, s20, v7  }
0x20d: {  	[tilespmem:s31+$0x700] =	vst v5;
	v5 =	vsel vm15, s19, v62  }
0x20e: {  	[tilespmem:s31+$0x780] =	vst v5  }
0x20f: {  	s0 =	rddreg [dreg:$0x6];
	s1 =	simm.s32 $0x680  }
0x210: {  	[hbm4b:s0+s2] =	stream.linear.scatter [tilespmem:s1], [sflag:$0x1], $0x80, $0x38;
	[tilespmem:$0x800] =	vst v63  }
0x211: {  	_ =	swait.ge [sflag:s12], $0x80  }
0x212: {  	[sflag:s12] =	ssyncset.done $0x0  }
0x213: {  	s29 =	simm.s32 $0x700;
	s28 =	rddreg [dreg:$0x7];
	[sflag:s12] =	ssyncadd.s32 $0xFFFFFF80  }
0x214: {  	[hbm4b:s28+s2] =	stream.linear.scatter [tilespmem:s29], [sflag:$0x1], $0x80, $0x38;
	[tilespmem:$0x800] =	vst v63  }
0x215: {  	s17 =	sadd.s32 $0x1, s17;
	_ =	swait.ge [sflag:s12], $0x80  }
0x216: {  	s31 =	simm.s32 $0x780;
	p0 =	sne.s32 s17, s9;
	[sflag:s12] =	ssyncset.done $0x0  }
.Ltmp10:
0x217: {  	s30 =	rddreg [dreg:$0x8];
	[sflag:s12] =	ssyncadd.s32 $0xFFFFFF80;
	(pc) =	sbr.rel @p0 .LBB2_2-.Ltmp10, $4  }
0x218: {  	[hbm4b:s30+s2] =	stream.linear.scatter [tilespmem:s31], [sflag:$0x1], $0x80, $0x38;
	[tilespmem:$0x800] =	vst v63  }
0x219: {  	_ =	swait.ge [sflag:s12], $0x80  }
0x21a: {  	[sflag:s12] =	ssyncset.done $0x0  }
0x21b: {  	[sflag:s12] =	ssyncadd.s32 $0xFFFFFF80  }
.LBB2_14:
0x21c: {  	_ =	sfence.sel $0x180000  }
0x21d: {  	[bflag:$0x0] =	sbarrier.arrive $0xFFFF  }
0x21e: {  	_ =	strace $0x90000047  }
0x21f: {  	s0 =	stileid.u32;
	[bflag:$0x2] =	sbarrier.arrive $0xFFFF  }
0x220: {  	p0 =	sne.s32 s0, $0x0;
	s0 =	rddreg [dreg:$0x4]  }
0x221: {  	s0 =	sadd.s32 @!p0 $0x100000, s0  }
0x222: {  	[sflag:s0] =	ssyncadd.tile.s32 @!p0 $0x1;
	_ =	shalt  }
.Lfunc_end2:
_tile_overlayer_lowered:
.L_overlay_start_2:
0x223: {  	(tag) =	ssettag $0x2  }
0x224: {  	s0 =	rddreg [dreg:$0x0];
	s2 =	stileid.u32  }
0x225: {  	s1 =	rddreg [dreg:$0x1];
	p0 =	sne.s32 s2, $0x0  }
0x226: {  	s3 =	rddreg [dreg:$0x2];
	[bflag:$0x3] =	sbarrier.arrive $0xFFFF;
	s2 =	simm.s32 @!p0 $0x1C01  }
0x227: {  	[timem:s3], [sflag:s2] =	dma.local @!p0 [hbm:s0], s1  }
0x228: {  	s0 =	simm.s32 @!p0 $0x1  }
0x229: {  	_ =	swait.ge @!p0 [sflag:s0], s1  }
0x22a: {  	s1 =	ssub.s32 @!p0 $0x0, s1;
	[sflag:s0] =	ssyncset.done @!p0 $0x0  }
0x22b: {  	[sflag:s0] =	ssyncadd.s32 @!p0 s1  }
0x22c: {  	[bflag:$0x3] =	sbarrier.arrive $0xFFFF  }
0x22d: {  	_ =	shalt  }

</sc_bundles>
